<compile_context>
chip_gen: v7x
topology: tpu7x:2x2x1
jax: 0.10.2.dev20260603
libtpu: 0.0.44.dev20260713+nightly
codegen_flags: <defaults>
</compile_context>

<pallas_src>
import functools

import jax
import jax.numpy as jnp
from jax import lax
from jax.experimental import pallas as pl
from jax.experimental.pallas import tpu as pltpu
from jax.experimental.pallas import tpu_sc as plsc

BATCH = 16384
DIM = 64
NC = 2
NS = 16
LANES = 16
NW = NC * NS
B_PER_W = BATCH // NW
CHUNK = 128
NCHUNK = B_PER_W // CHUNK


def _sc_body(uid_hbm, iid_hbm, uw_hbm, iw_hbm,
             ratings_hbm, uf_hbm, if_hbm,
             uidx, iidx, urows, irows, tbuf, rat, sem_u, sem_i):
    wid = lax.axis_index("s") * NC + lax.axis_index("c")
    base = wid * B_PER_W

    for j in range(NCHUNK):
        pltpu.sync_copy(uid_hbm.at[pl.ds(base + j * CHUNK, CHUNK)], uidx.at[j])
        pltpu.sync_copy(iid_hbm.at[pl.ds(base + j * CHUNK, CHUNK)], iidx.at[j])

    copies = []
    for j in range(NCHUNK):
        copies.append(pltpu.async_copy(
            uw_hbm.at[uidx.at[j]], urows.at[pl.ds(j * CHUNK, CHUNK)], sem_u))
        copies.append(pltpu.async_copy(
            iw_hbm.at[iidx.at[j]], irows.at[pl.ds(j * CHUNK, CHUNK)], sem_i))
    for c in copies:
        c.wait()

    iota16 = lax.iota(jnp.int32, LANES)

    def group(g, carry):
        base_r = g * LANES
        for b in range(LANES):
            row = base_r + b
            acc = urows[row, pl.ds(0, LANES)] * irows[row, pl.ds(0, LANES)]
            for k in range(1, DIM // LANES):
                acc = acc + (urows[row, pl.ds(k * LANES, LANES)]
                             * irows[row, pl.ds(k * LANES, LANES)])
            plsc.store_scatter(tbuf, [iota16 * LANES + b], acc)
        rv = tbuf[pl.ds(0, LANES)]
        for j in range(1, LANES):
            rv = rv + tbuf[pl.ds(j * LANES, LANES)]
        rat[pl.ds(base_r, LANES)] = rv
        return carry

    lax.fori_loop(0, B_PER_W // LANES, group, 0)

    pltpu.sync_copy(urows, uf_hbm.at[pl.ds(base, B_PER_W)])
    pltpu.sync_copy(irows, if_hbm.at[pl.ds(base, B_PER_W)])
    pltpu.sync_copy(rat, ratings_hbm.at[pl.ds(base, B_PER_W)])


@jax.jit
def kernel(user_ids, item_ids, user_weight, item_weight):
    mesh = plsc.VectorSubcoreMesh(core_axis_name="c", subcore_axis_name="s")
    out_type = (
        jax.ShapeDtypeStruct((BATCH,), jnp.float32),
        jax.ShapeDtypeStruct((BATCH, DIM), jnp.float32),
        jax.ShapeDtypeStruct((BATCH, DIM), jnp.float32),
    )
    scratch = [
        pltpu.VMEM((NCHUNK, CHUNK), jnp.int32),
        pltpu.VMEM((NCHUNK, CHUNK), jnp.int32),
        pltpu.VMEM((B_PER_W, DIM), jnp.float32),
        pltpu.VMEM((B_PER_W, DIM), jnp.float32),
        pltpu.VMEM((LANES * LANES,), jnp.float32),
        pltpu.VMEM((B_PER_W,), jnp.float32),
        pltpu.SemaphoreType.DMA,
        pltpu.SemaphoreType.DMA,
    ]
    run = pl.kernel(_sc_body, out_type=out_type, mesh=mesh,
                    scratch_types=scratch,
                    compiler_params=pltpu.CompilerParams(
                        needs_layout_passes=False,
                        use_tc_tiling_on_sc=False))
    return run(user_ids.astype(jnp.int32), item_ids.astype(jnp.int32),
               user_weight, item_weight)

# --- scband reference (transcript-rebuilt; emitter-appended) ---
"""Pipeline reference for scband-matrix-factorization-89842125898017 (READ-ONLY COPY).

The authoritative reference and input builder live on the scoring server;
editing this copy changes nothing except your own understanding.
"""

import jax, jax.numpy as jnp
import numpy as np

BATCH = 16384
VOCAB = 1000000
DIM = 64

def setup_inputs(seed: int = 0) -> dict:
    key = jax.random.key(seed)
    k1, k2, k3, k4 = jax.random.split(key, 4)
    user_ids = jax.random.randint(k1, (BATCH,), 0, VOCAB, dtype=jnp.int64 if jax.config.jax_enable_x64 else jnp.int32)
    item_ids = jax.random.randint(k2, (BATCH,), 0, VOCAB, dtype=jnp.int64 if jax.config.jax_enable_x64 else jnp.int32)
    user_weight = jax.random.normal(k3, (VOCAB, DIM), dtype=jnp.float32)
    item_weight = jax.random.normal(k4, (VOCAB, DIM), dtype=jnp.float32)
    return {"user_ids": user_ids, "item_ids": item_ids, "user_weight": user_weight, "item_weight": item_weight}

def reference(user_ids, item_ids, user_weight, item_weight):
    # F.embedding -> row gather from table
    user_features = jnp.take(user_weight, user_ids, axis=0)
    item_features = jnp.take(item_weight, item_ids, axis=0)
    ratings = (user_features * item_features).sum(axis=1)
    # F.dropout(p=0.6) treated as identity (inference / deterministic reference)
    return (ratings, user_features, item_features)

if __name__ == "__main__":
    import jax
    _d = setup_inputs()
    print(jax.jit(kernel)(*tuple(_d.values())))

</pallas_src>

<mosaic_0001>
#map = affine_map<(d0, d1) -> (0)>
#map1 = affine_map<(d0, d1) -> (0, 0)>
module attributes {stable_mosaic.version = 14 : i64} {
  func.func @_sc_body(%arg0: i32, %arg1: i32, %arg2: memref<16384xi32, #tpu.memory_space<hbm>>, %arg3: memref<16384xi32, #tpu.memory_space<hbm>>, %arg4: memref<1000000x64xf32, #tpu.memory_space<hbm>>, %arg5: memref<1000000x64xf32, #tpu.memory_space<hbm>>, %arg6: memref<16384xf32, #tpu.memory_space<hbm>>, %arg7: memref<16384x64xf32, #tpu.memory_space<hbm>>, %arg8: memref<16384x64xf32, #tpu.memory_space<hbm>>, %arg9: memref<4x128xi32, #tpu.memory_space<vmem>>, %arg10: memref<4x128xi32, #tpu.memory_space<vmem>>, %arg11: memref<512x64xf32, #tpu.memory_space<vmem>>, %arg12: memref<512x64xf32, #tpu.memory_space<vmem>>, %arg13: memref<256xf32, #tpu.memory_space<vmem>>, %arg14: memref<512xf32, #tpu.memory_space<vmem>>, %arg15: memref<!tpu.dma_semaphore, #tpu.memory_space<semaphore_mem>>, %arg16: memref<!tpu.dma_semaphore, #tpu.memory_space<semaphore_mem>>) attributes {dimension_semantics = [#tpu.dimension_semantics<core_parallel>, #tpu.dimension_semantics<subcore_parallel>], iteration_bounds = array<i64: 2, 16>, scalar_prefetch = 0 : i64, scratch_operands = 8 : i64, tpu.core_type = #tpu.core_type<sc_vector_subcore>, window_params = [{transform_indices = #map}, {transform_indices = #map}, {transform_indices = #map1}, {transform_indices = #map1}, {transform_indices = #map}, {transform_indices = #map1}, {transform_indices = #map1}]} {
    %mul3A = arith.constant 2 : i32
    %mul3A_0 = arith.muli %arg1, %mul3A : i32
    %add3A = arith.addi %mul3A_0, %arg0 : i32
    %mul3A_1 = arith.constant 512 : i32
    %mul3A_2 = arith.muli %add3A, %mul3A_1 : i32
    %add3A_3 = arith.constant 0 : i32
    %add3A_4 = arith.addi %mul3A_2, %add3A_3 : i32
    %run_scoped3A = arith.constant 0 : i32
    "tpu.region"() ({
      %run_scoped3A_189 = tpu.sem_alloc : memref<!tpu.dma_semaphore, #tpu.memory_space<semaphore_mem>>
      %dma_start3A_190 = arith.constant 0 : i32
      %dma_start3A_191 = tpu.memref_slice %arg9[%run_scoped3A, %dma_start3A_190] : memref<4x128xi32, #tpu.memory_space<vmem>> -> memref<1x128xi32, #tpu.memory_space<vmem>>
      %dma_start3A_192 = tpu.memref_squeeze %dma_start3A_191 : memref<1x128xi32, #tpu.memory_space<vmem>> -> memref<128xi32, #tpu.memory_space<vmem>>
      %dma_start3A_193 = tpu.memref_slice %arg2[%add3A_4] : memref<16384xi32, #tpu.memory_space<hbm>> -> memref<128xi32, #tpu.memory_space<hbm>>
      %dma_start3A_194 = arith.constant 0 : i32
      %dma_start3A_195 = tpu.memref_slice %arg9[%run_scoped3A, %dma_start3A_194] : memref<4x128xi32, #tpu.memory_space<vmem>> -> memref<1x128xi32, #tpu.memory_space<vmem>>
      %dma_start3A_196 = tpu.memref_squeeze %dma_start3A_195 : memref<1x128xi32, #tpu.memory_space<vmem>> -> memref<128xi32, #tpu.memory_space<vmem>>
      %dma_start3A_197 = tpu.memref_slice %arg2[%add3A_4] : memref<16384xi32, #tpu.memory_space<hbm>> -> memref<128xi32, #tpu.memory_space<hbm>>
      tpu.enqueue_dma source(%dma_start3A_197 : memref<128xi32, #tpu.memory_space<hbm>>) target(%dma_start3A_196 : memref<128xi32, #tpu.memory_space<vmem>>) target_semaphore(%run_scoped3A_189 : memref<!tpu.dma_semaphore, #tpu.memory_space<semaphore_mem>>)
      %dma_wait3A_198 = arith.constant 0 : i32
      %dma_wait3A_199 = tpu.memref_slice %arg9[%run_scoped3A, %dma_wait3A_198] : memref<4x128xi32, #tpu.memory_space<vmem>> -> memref<1x128xi32, #tpu.memory_space<vmem>>
      %dma_wait3A_200 = tpu.memref_squeeze %dma_wait3A_199 : memref<1x128xi32, #tpu.memory_space<vmem>> -> memref<128xi32, #tpu.memory_space<vmem>>
      %dma_wait3A_201 = tpu.memref_slice %arg2[%add3A_4] : memref<16384xi32, #tpu.memory_space<hbm>> -> memref<128xi32, #tpu.memory_space<hbm>>
      %dma_wait3A_202 = arith.constant 0 : i32
      %dma_wait3A_203 = tpu.memref_slice %arg9[%run_scoped3A, %dma_wait3A_202] : memref<4x128xi32, #tpu.memory_space<vmem>> -> memref<1x128xi32, #tpu.memory_space<vmem>>
      %dma_wait3A_204 = tpu.memref_squeeze %dma_wait3A_203 : memref<1x128xi32, #tpu.memory_space<vmem>> -> memref<128xi32, #tpu.memory_space<vmem>>
      %dma_wait3A_205 = tpu.memref_slice %arg2[%add3A_4] : memref<16384xi32, #tpu.memory_space<hbm>> -> memref<128xi32, #tpu.memory_space<hbm>>
      tpu.wait_dma2 semaphore(%run_scoped3A_189 : memref<!tpu.dma_semaphore, #tpu.memory_space<semaphore_mem>>) src(%dma_wait3A_205 : memref<128xi32, #tpu.memory_space<hbm>>) dst(%dma_wait3A_204 : memref<128xi32, #tpu.memory_space<vmem>>)
      tpu.yield
    }) : () -> ()
    %add3A_5 = arith.constant 0 : i32
    %add3A_6 = arith.addi %mul3A_2, %add3A_5 : i32
    %run_scoped3A_7 = arith.constant 0 : i32
    "tpu.region"() ({
      %run_scoped3A_189 = tpu.sem_alloc : memref<!tpu.dma_semaphore, #tpu.memory_space<semaphore_mem>>
      %dma_start3A_190 = arith.constant 0 : i32
      %dma_start3A_191 = tpu.memref_slice %arg10[%run_scoped3A_7, %dma_start3A_190] : memref<4x128xi32, #tpu.memory_space<vmem>> -> memref<1x128xi32, #tpu.memory_space<vmem>>
      %dma_start3A_192 = tpu.memref_squeeze %dma_start3A_191 : memref<1x128xi32, #tpu.memory_space<vmem>> -> memref<128xi32, #tpu.memory_space<vmem>>
      %dma_start3A_193 = tpu.memref_slice %arg3[%add3A_6] : memref<16384xi32, #tpu.memory_space<hbm>> -> memref<128xi32, #tpu.memory_space<hbm>>
      %dma_start3A_194 = arith.constant 0 : i32
      %dma_start3A_195 = tpu.memref_slice %arg10[%run_scoped3A_7, %dma_start3A_194] : memref<4x128xi32, #tpu.memory_space<vmem>> -> memref<1x128xi32, #tpu.memory_space<vmem>>
      %dma_start3A_196 = tpu.memref_squeeze %dma_start3A_195 : memref<1x128xi32, #tpu.memory_space<vmem>> -> memref<128xi32, #tpu.memory_space<vmem>>
      %dma_start3A_197 = tpu.memref_slice %arg3[%add3A_6] : memref<16384xi32, #tpu.memory_space<hbm>> -> memref<128xi32, #tpu.memory_space<hbm>>
      tpu.enqueue_dma source(%dma_start3A_197 : memref<128xi32, #tpu.memory_space<hbm>>) target(%dma_start3A_196 : memref<128xi32, #tpu.memory_space<vmem>>) target_semaphore(%run_scoped3A_189 : memref<!tpu.dma_semaphore, #tpu.memory_space<semaphore_mem>>)
      %dma_wait3A_198 = arith.constant 0 : i32
      %dma_wait3A_199 = tpu.memref_slice %arg10[%run_scoped3A_7, %dma_wait3A_198] : memref<4x128xi32, #tpu.memory_space<vmem>> -> memref<1x128xi32, #tpu.memory_space<vmem>>
      %dma_wait3A_200 = tpu.memref_squeeze %dma_wait3A_199 : memref<1x128xi32, #tpu.memory_space<vmem>> -> memref<128xi32, #tpu.memory_space<vmem>>
      %dma_wait3A_201 = tpu.memref_slice %arg3[%add3A_6] : memref<16384xi32, #tpu.memory_space<hbm>> -> memref<128xi32, #tpu.memory_space<hbm>>
      %dma_wait3A_202 = arith.constant 0 : i32
      %dma_wait3A_203 = tpu.memref_slice %arg10[%run_scoped3A_7, %dma_wait3A_202] : memref<4x128xi32, #tpu.memory_space<vmem>> -> memref<1x128xi32, #tpu.memory_space<vmem>>
      %dma_wait3A_204 = tpu.memref_squeeze %dma_wait3A_203 : memref<1x128xi32, #tpu.memory_space<vmem>> -> memref<128xi32, #tpu.memory_space<vmem>>
      %dma_wait3A_205 = tpu.memref_slice %arg3[%add3A_6] : memref<16384xi32, #tpu.memory_space<hbm>> -> memref<128xi32, #tpu.memory_space<hbm>>
      tpu.wait_dma2 semaphore(%run_scoped3A_189 : memref<!tpu.dma_semaphore, #tpu.memory_space<semaphore_mem>>) src(%dma_wait3A_205 : memref<128xi32, #tpu.memory_space<hbm>>) dst(%dma_wait3A_204 : memref<128xi32, #tpu.memory_space<vmem>>)
      tpu.yield
    }) : () -> ()
    %add3A_8 = arith.constant 128 : i32
    %add3A_9 = arith.addi %mul3A_2, %add3A_8 : i32
    %run_scoped3A_10 = arith.constant 1 : i32
    "tpu.region"() ({
      %run_scoped3A_189 = tpu.sem_alloc : memref<!tpu.dma_semaphore, #tpu.memory_space<semaphore_mem>>
      %dma_start3A_190 = arith.constant 0 : i32
      %dma_start3A_191 = tpu.memref_slice %arg9[%run_scoped3A_10, %dma_start3A_190] : memref<4x128xi32, #tpu.memory_space<vmem>> -> memref<1x128xi32, #tpu.memory_space<vmem>>
      %dma_start3A_192 = tpu.memref_squeeze %dma_start3A_191 : memref<1x128xi32, #tpu.memory_space<vmem>> -> memref<128xi32, #tpu.memory_space<vmem>>
      %dma_start3A_193 = tpu.memref_slice %arg2[%add3A_9] : memref<16384xi32, #tpu.memory_space<hbm>> -> memref<128xi32, #tpu.memory_space<hbm>>
      %dma_start3A_194 = arith.constant 0 : i32
      %dma_start3A_195 = tpu.memref_slice %arg9[%run_scoped3A_10, %dma_start3A_194] : memref<4x128xi32, #tpu.memory_space<vmem>> -> memref<1x128xi32, #tpu.memory_space<vmem>>
      %dma_start3A_196 = tpu.memref_squeeze %dma_start3A_195 : memref<1x128xi32, #tpu.memory_space<vmem>> -> memref<128xi32, #tpu.memory_space<vmem>>
      %dma_start3A_197 = tpu.memref_slice %arg2[%add3A_9] : memref<16384xi32, #tpu.memory_space<hbm>> -> memref<128xi32, #tpu.memory_space<hbm>>
      tpu.enqueue_dma source(%dma_start3A_197 : memref<128xi32, #tpu.memory_space<hbm>>) target(%dma_start3A_196 : memref<128xi32, #tpu.memory_space<vmem>>) target_semaphore(%run_scoped3A_189 : memref<!tpu.dma_semaphore, #tpu.memory_space<semaphore_mem>>)
      %dma_wait3A_198 = arith.constant 0 : i32
      %dma_wait3A_199 = tpu.memref_slice %arg9[%run_scoped3A_10, %dma_wait3A_198] : memref<4x128xi32, #tpu.memory_space<vmem>> -> memref<1x128xi32, #tpu.memory_space<vmem>>
      %dma_wait3A_200 = tpu.memref_squeeze %dma_wait3A_199 : memref<1x128xi32, #tpu.memory_space<vmem>> -> memref<128xi32, #tpu.memory_space<vmem>>
      %dma_wait3A_201 = tpu.memref_slice %arg2[%add3A_9] : memref<16384xi32, #tpu.memory_space<hbm>> -> memref<128xi32, #tpu.memory_space<hbm>>
      %dma_wait3A_202 = arith.constant 0 : i32
      %dma_wait3A_203 = tpu.memref_slice %arg9[%run_scoped3A_10, %dma_wait3A_202] : memref<4x128xi32, #tpu.memory_space<vmem>> -> memref<1x128xi32, #tpu.memory_space<vmem>>
      %dma_wait3A_204 = tpu.memref_squeeze %dma_wait3A_203 : memref<1x128xi32, #tpu.memory_space<vmem>> -> memref<128xi32, #tpu.memory_space<vmem>>
      %dma_wait3A_205 = tpu.memref_slice %arg2[%add3A_9] : memref<16384xi32, #tpu.memory_space<hbm>> -> memref<128xi32, #tpu.memory_space<hbm>>
      tpu.wait_dma2 semaphore(%run_scoped3A_189 : memref<!tpu.dma_semaphore, #tpu.memory_space<semaphore_mem>>) src(%dma_wait3A_205 : memref<128xi32, #tpu.memory_space<hbm>>) dst(%dma_wait3A_204 : memref<128xi32, #tpu.memory_space<vmem>>)
      tpu.yield
    }) : () -> ()
    %add3A_11 = arith.constant 128 : i32
    %add3A_12 = arith.addi %mul3A_2, %add3A_11 : i32
    %run_scoped3A_13 = arith.constant 1 : i32
    "tpu.region"() ({
      %run_scoped3A_189 = tpu.sem_alloc : memref<!tpu.dma_semaphore, #tpu.memory_space<semaphore_mem>>
      %dma_start3A_190 = arith.constant 0 : i32
      %dma_start3A_191 = tpu.memref_slice %arg10[%run_scoped3A_13, %dma_start3A_190] : memref<4x128xi32, #tpu.memory_space<vmem>> -> memref<1x128xi32, #tpu.memory_space<vmem>>
      %dma_start3A_192 = tpu.memref_squeeze %dma_start3A_191 : memref<1x128xi32, #tpu.memory_space<vmem>> -> memref<128xi32, #tpu.memory_space<vmem>>
      %dma_start3A_193 = tpu.memref_slice %arg3[%add3A_12] : memref<16384xi32, #tpu.memory_space<hbm>> -> memref<128xi32, #tpu.memory_space<hbm>>
      %dma_start3A_194 = arith.constant 0 : i32
      %dma_start3A_195 = tpu.memref_slice %arg10[%run_scoped3A_13, %dma_start3A_194] : memref<4x128xi32, #tpu.memory_space<vmem>> -> memref<1x128xi32, #tpu.memory_space<vmem>>
      %dma_start3A_196 = tpu.memref_squeeze %dma_start3A_195 : memref<1x128xi32, #tpu.memory_space<vmem>> -> memref<128xi32, #tpu.memory_space<vmem>>
      %dma_start3A_197 = tpu.memref_slice %arg3[%add3A_12] : memref<16384xi32, #tpu.memory_space<hbm>> -> memref<128xi32, #tpu.memory_space<hbm>>
      tpu.enqueue_dma source(%dma_start3A_197 : memref<128xi32, #tpu.memory_space<hbm>>) target(%dma_start3A_196 : memref<128xi32, #tpu.memory_space<vmem>>) target_semaphore(%run_scoped3A_189 : memref<!tpu.dma_semaphore, #tpu.memory_space<semaphore_mem>>)
      %dma_wait3A_198 = arith.constant 0 : i32
      %dma_wait3A_199 = tpu.memref_slice %arg10[%run_scoped3A_13, %dma_wait3A_198] : memref<4x128xi32, #tpu.memory_space<vmem>> -> memref<1x128xi32, #tpu.memory_space<vmem>>
      %dma_wait3A_200 = tpu.memref_squeeze %dma_wait3A_199 : memref<1x128xi32, #tpu.memory_space<vmem>> -> memref<128xi32, #tpu.memory_space<vmem>>
      %dma_wait3A_201 = tpu.memref_slice %arg3[%add3A_12] : memref<16384xi32, #tpu.memory_space<hbm>> -> memref<128xi32, #tpu.memory_space<hbm>>
      %dma_wait3A_202 = arith.constant 0 : i32
      %dma_wait3A_203 = tpu.memref_slice %arg10[%run_scoped3A_13, %dma_wait3A_202] : memref<4x128xi32, #tpu.memory_space<vmem>> -> memref<1x128xi32, #tpu.memory_space<vmem>>
      %dma_wait3A_204 = tpu.memref_squeeze %dma_wait3A_203 : memref<1x128xi32, #tpu.memory_space<vmem>> -> memref<128xi32, #tpu.memory_space<vmem>>
      %dma_wait3A_205 = tpu.memref_slice %arg3[%add3A_12] : memref<16384xi32, #tpu.memory_space<hbm>> -> memref<128xi32, #tpu.memory_space<hbm>>
      tpu.wait_dma2 semaphore(%run_scoped3A_189 : memref<!tpu.dma_semaphore, #tpu.memory_space<semaphore_mem>>) src(%dma_wait3A_205 : memref<128xi32, #tpu.memory_space<hbm>>) dst(%dma_wait3A_204 : memref<128xi32, #tpu.memory_space<vmem>>)
      tpu.yield
    }) : () -> ()
    %add3A_14 = arith.constant 256 : i32
    %add3A_15 = arith.addi %mul3A_2, %add3A_14 : i32
    %run_scoped3A_16 = arith.constant 2 : i32
    "tpu.region"() ({
      %run_scoped3A_189 = tpu.sem_alloc : memref<!tpu.dma_semaphore, #tpu.memory_space<semaphore_mem>>
      %dma_start3A_190 = arith.constant 0 : i32
      %dma_start3A_191 = tpu.memref_slice %arg9[%run_scoped3A_16, %dma_start3A_190] : memref<4x128xi32, #tpu.memory_space<vmem>> -> memref<1x128xi32, #tpu.memory_space<vmem>>
      %dma_start3A_192 = tpu.memref_squeeze %dma_start3A_191 : memref<1x128xi32, #tpu.memory_space<vmem>> -> memref<128xi32, #tpu.memory_space<vmem>>
      %dma_start3A_193 = tpu.memref_slice %arg2[%add3A_15] : memref<16384xi32, #tpu.memory_space<hbm>> -> memref<128xi32, #tpu.memory_space<hbm>>
      %dma_start3A_194 = arith.constant 0 : i32
      %dma_start3A_195 = tpu.memref_slice %arg9[%run_scoped3A_16, %dma_start3A_194] : memref<4x128xi32, #tpu.memory_space<vmem>> -> memref<1x128xi32, #tpu.memory_space<vmem>>
      %dma_start3A_196 = tpu.memref_squeeze %dma_start3A_195 : memref<1x128xi32, #tpu.memory_space<vmem>> -> memref<128xi32, #tpu.memory_space<vmem>>
      %dma_start3A_197 = tpu.memref_slice %arg2[%add3A_15] : memref<16384xi32, #tpu.memory_space<hbm>> -> memref<128xi32, #tpu.memory_space<hbm>>
      tpu.enqueue_dma source(%dma_start3A_197 : memref<128xi32, #tpu.memory_space<hbm>>) target(%dma_start3A_196 : memref<128xi32, #tpu.memory_space<vmem>>) target_semaphore(%run_scoped3A_189 : memref<!tpu.dma_semaphore, #tpu.memory_space<semaphore_mem>>)
      %dma_wait3A_198 = arith.constant 0 : i32
      %dma_wait3A_199 = tpu.memref_slice %arg9[%run_scoped3A_16, %dma_wait3A_198] : memref<4x128xi32, #tpu.memory_space<vmem>> -> memref<1x128xi32, #tpu.memory_space<vmem>>
      %dma_wait3A_200 = tpu.memref_squeeze %dma_wait3A_199 : memref<1x128xi32, #tpu.memory_space<vmem>> -> memref<128xi32, #tpu.memory_space<vmem>>
      %dma_wait3A_201 = tpu.memref_slice %arg2[%add3A_15] : memref<16384xi32, #tpu.memory_space<hbm>> -> memref<128xi32, #tpu.memory_space<hbm>>
      %dma_wait3A_202 = arith.constant 0 : i32
      %dma_wait3A_203 = tpu.memref_slice %arg9[%run_scoped3A_16, %dma_wait3A_202] : memref<4x128xi32, #tpu.memory_space<vmem>> -> memref<1x128xi32, #tpu.memory_space<vmem>>
      %dma_wait3A_204 = tpu.memref_squeeze %dma_wait3A_203 : memref<1x128xi32, #tpu.memory_space<vmem>> -> memref<128xi32, #tpu.memory_space<vmem>>
      %dma_wait3A_205 = tpu.memref_slice %arg2[%add3A_15] : memref<16384xi32, #tpu.memory_space<hbm>> -> memref<128xi32, #tpu.memory_space<hbm>>
      tpu.wait_dma2 semaphore(%run_scoped3A_189 : memref<!tpu.dma_semaphore, #tpu.memory_space<semaphore_mem>>) src(%dma_wait3A_205 : memref<128xi32, #tpu.memory_space<hbm>>) dst(%dma_wait3A_204 : memref<128xi32, #tpu.memory_space<vmem>>)
      tpu.yield
    }) : () -> ()
    %add3A_17 = arith.constant 256 : i32
    %add3A_18 = arith.addi %mul3A_2, %add3A_17 : i32
    %run_scoped3A_19 = arith.constant 2 : i32
    "tpu.region"() ({
      %run_scoped3A_189 = tpu.sem_alloc : memref<!tpu.dma_semaphore, #tpu.memory_space<semaphore_mem>>
      %dma_start3A_190 = arith.constant 0 : i32
      %dma_start3A_191 = tpu.memref_slice %arg10[%run_scoped3A_19, %dma_start3A_190] : memref<4x128xi32, #tpu.memory_space<vmem>> -> memref<1x128xi32, #tpu.memory_space<vmem>>
      %dma_start3A_192 = tpu.memref_squeeze %dma_start3A_191 : memref<1x128xi32, #tpu.memory_space<vmem>> -> memref<128xi32, #tpu.memory_space<vmem>>
      %dma_start3A_193 = tpu.memref_slice %arg3[%add3A_18] : memref<16384xi32, #tpu.memory_space<hbm>> -> memref<128xi32, #tpu.memory_space<hbm>>
      %dma_start3A_194 = arith.constant 0 : i32
      %dma_start3A_195 = tpu.memref_slice %arg10[%run_scoped3A_19, %dma_start3A_194] : memref<4x128xi32, #tpu.memory_space<vmem>> -> memref<1x128xi32, #tpu.memory_space<vmem>>
      %dma_start3A_196 = tpu.memref_squeeze %dma_start3A_195 : memref<1x128xi32, #tpu.memory_space<vmem>> -> memref<128xi32, #tpu.memory_space<vmem>>
      %dma_start3A_197 = tpu.memref_slice %arg3[%add3A_18] : memref<16384xi32, #tpu.memory_space<hbm>> -> memref<128xi32, #tpu.memory_space<hbm>>
      tpu.enqueue_dma source(%dma_start3A_197 : memref<128xi32, #tpu.memory_space<hbm>>) target(%dma_start3A_196 : memref<128xi32, #tpu.memory_space<vmem>>) target_semaphore(%run_scoped3A_189 : memref<!tpu.dma_semaphore, #tpu.memory_space<semaphore_mem>>)
      %dma_wait3A_198 = arith.constant 0 : i32
      %dma_wait3A_199 = tpu.memref_slice %arg10[%run_scoped3A_19, %dma_wait3A_198] : memref<4x128xi32, #tpu.memory_space<vmem>> -> memref<1x128xi32, #tpu.memory_space<vmem>>
      %dma_wait3A_200 = tpu.memref_squeeze %dma_wait3A_199 : memref<1x128xi32, #tpu.memory_space<vmem>> -> memref<128xi32, #tpu.memory_space<vmem>>
      %dma_wait3A_201 = tpu.memref_slice %arg3[%add3A_18] : memref<16384xi32, #tpu.memory_space<hbm>> -> memref<128xi32, #tpu.memory_space<hbm>>
      %dma_wait3A_202 = arith.constant 0 : i32
      %dma_wait3A_203 = tpu.memref_slice %arg10[%run_scoped3A_19, %dma_wait3A_202] : memref<4x128xi32, #tpu.memory_space<vmem>> -> memref<1x128xi32, #tpu.memory_space<vmem>>
      %dma_wait3A_204 = tpu.memref_squeeze %dma_wait3A_203 : memref<1x128xi32, #tpu.memory_space<vmem>> -> memref<128xi32, #tpu.memory_space<vmem>>
      %dma_wait3A_205 = tpu.memref_slice %arg3[%add3A_18] : memref<16384xi32, #tpu.memory_space<hbm>> -> memref<128xi32, #tpu.memory_space<hbm>>
      tpu.wait_dma2 semaphore(%run_scoped3A_189 : memref<!tpu.dma_semaphore, #tpu.memory_space<semaphore_mem>>) src(%dma_wait3A_205 : memref<128xi32, #tpu.memory_space<hbm>>) dst(%dma_wait3A_204 : memref<128xi32, #tpu.memory_space<vmem>>)
      tpu.yield
    }) : () -> ()
    %add3A_20 = arith.constant 384 : i32
    %add3A_21 = arith.addi %mul3A_2, %add3A_20 : i32
    %run_scoped3A_22 = arith.constant 3 : i32
    "tpu.region"() ({
      %run_scoped3A_189 = tpu.sem_alloc : memref<!tpu.dma_semaphore, #tpu.memory_space<semaphore_mem>>
      %dma_start3A_190 = arith.constant 0 : i32
      %dma_start3A_191 = tpu.memref_slice %arg9[%run_scoped3A_22, %dma_start3A_190] : memref<4x128xi32, #tpu.memory_space<vmem>> -> memref<1x128xi32, #tpu.memory_space<vmem>>
      %dma_start3A_192 = tpu.memref_squeeze %dma_start3A_191 : memref<1x128xi32, #tpu.memory_space<vmem>> -> memref<128xi32, #tpu.memory_space<vmem>>
      %dma_start3A_193 = tpu.memref_slice %arg2[%add3A_21] : memref<16384xi32, #tpu.memory_space<hbm>> -> memref<128xi32, #tpu.memory_space<hbm>>
      %dma_start3A_194 = arith.constant 0 : i32
      %dma_start3A_195 = tpu.memref_slice %arg9[%run_scoped3A_22, %dma_start3A_194] : memref<4x128xi32, #tpu.memory_space<vmem>> -> memref<1x128xi32, #tpu.memory_space<vmem>>
      %dma_start3A_196 = tpu.memref_squeeze %dma_start3A_195 : memref<1x128xi32, #tpu.memory_space<vmem>> -> memref<128xi32, #tpu.memory_space<vmem>>
      %dma_start3A_197 = tpu.memref_slice %arg2[%add3A_21] : memref<16384xi32, #tpu.memory_space<hbm>> -> memref<128xi32, #tpu.memory_space<hbm>>
      tpu.enqueue_dma source(%dma_start3A_197 : memref<128xi32, #tpu.memory_space<hbm>>) target(%dma_start3A_196 : memref<128xi32, #tpu.memory_space<vmem>>) target_semaphore(%run_scoped3A_189 : memref<!tpu.dma_semaphore, #tpu.memory_space<semaphore_mem>>)
      %dma_wait3A_198 = arith.constant 0 : i32
      %dma_wait3A_199 = tpu.memref_slice %arg9[%run_scoped3A_22, %dma_wait3A_198] : memref<4x128xi32, #tpu.memory_space<vmem>> -> memref<1x128xi32, #tpu.memory_space<vmem>>
      %dma_wait3A_200 = tpu.memref_squeeze %dma_wait3A_199 : memref<1x128xi32, #tpu.memory_space<vmem>> -> memref<128xi32, #tpu.memory_space<vmem>>
      %dma_wait3A_201 = tpu.memref_slice %arg2[%add3A_21] : memref<16384xi32, #tpu.memory_space<hbm>> -> memref<128xi32, #tpu.memory_space<hbm>>
      %dma_wait3A_202 = arith.constant 0 : i32
      %dma_wait3A_203 = tpu.memref_slice %arg9[%run_scoped3A_22, %dma_wait3A_202] : memref<4x128xi32, #tpu.memory_space<vmem>> -> memref<1x128xi32, #tpu.memory_space<vmem>>
      %dma_wait3A_204 = tpu.memref_squeeze %dma_wait3A_203 : memref<1x128xi32, #tpu.memory_space<vmem>> -> memref<128xi32, #tpu.memory_space<vmem>>
      %dma_wait3A_205 = tpu.memref_slice %arg2[%add3A_21] : memref<16384xi32, #tpu.memory_space<hbm>> -> memref<128xi32, #tpu.memory_space<hbm>>
      tpu.wait_dma2 semaphore(%run_scoped3A_189 : memref<!tpu.dma_semaphore, #tpu.memory_space<semaphore_mem>>) src(%dma_wait3A_205 : memref<128xi32, #tpu.memory_space<hbm>>) dst(%dma_wait3A_204 : memref<128xi32, #tpu.memory_space<vmem>>)
      tpu.yield
    }) : () -> ()
    %add3A_23 = arith.constant 384 : i32
    %add3A_24 = arith.addi %mul3A_2, %add3A_23 : i32
    %run_scoped3A_25 = arith.constant 3 : i32
    "tpu.region"() ({
      %run_scoped3A_189 = tpu.sem_alloc : memref<!tpu.dma_semaphore, #tpu.memory_space<semaphore_mem>>
      %dma_start3A_190 = arith.constant 0 : i32
      %dma_start3A_191 = tpu.memref_slice %arg10[%run_scoped3A_25, %dma_start3A_190] : memref<4x128xi32, #tpu.memory_space<vmem>> -> memref<1x128xi32, #tpu.memory_space<vmem>>
      %dma_start3A_192 = tpu.memref_squeeze %dma_start3A_191 : memref<1x128xi32, #tpu.memory_space<vmem>> -> memref<128xi32, #tpu.memory_space<vmem>>
      %dma_start3A_193 = tpu.memref_slice %arg3[%add3A_24] : memref<16384xi32, #tpu.memory_space<hbm>> -> memref<128xi32, #tpu.memory_space<hbm>>
      %dma_start3A_194 = arith.constant 0 : i32
      %dma_start3A_195 = tpu.memref_slice %arg10[%run_scoped3A_25, %dma_start3A_194] : memref<4x128xi32, #tpu.memory_space<vmem>> -> memref<1x128xi32, #tpu.memory_space<vmem>>
      %dma_start3A_196 = tpu.memref_squeeze %dma_start3A_195 : memref<1x128xi32, #tpu.memory_space<vmem>> -> memref<128xi32, #tpu.memory_space<vmem>>
      %dma_start3A_197 = tpu.memref_slice %arg3[%add3A_24] : memref<16384xi32, #tpu.memory_space<hbm>> -> memref<128xi32, #tpu.memory_space<hbm>>
      tpu.enqueue_dma source(%dma_start3A_197 : memref<128xi32, #tpu.memory_space<hbm>>) target(%dma_start3A_196 : memref<128xi32, #tpu.memory_space<vmem>>) target_semaphore(%run_scoped3A_189 : memref<!tpu.dma_semaphore, #tpu.memory_space<semaphore_mem>>)
      %dma_wait3A_198 = arith.constant 0 : i32
      %dma_wait3A_199 = tpu.memref_slice %arg10[%run_scoped3A_25, %dma_wait3A_198] : memref<4x128xi32, #tpu.memory_space<vmem>> -> memref<1x128xi32, #tpu.memory_space<vmem>>
      %dma_wait3A_200 = tpu.memref_squeeze %dma_wait3A_199 : memref<1x128xi32, #tpu.memory_space<vmem>> -> memref<128xi32, #tpu.memory_space<vmem>>
      %dma_wait3A_201 = tpu.memref_slice %arg3[%add3A_24] : memref<16384xi32, #tpu.memory_space<hbm>> -> memref<128xi32, #tpu.memory_space<hbm>>
      %dma_wait3A_202 = arith.constant 0 : i32
      %dma_wait3A_203 = tpu.memref_slice %arg10[%run_scoped3A_25, %dma_wait3A_202] : memref<4x128xi32, #tpu.memory_space<vmem>> -> memref<1x128xi32, #tpu.memory_space<vmem>>
      %dma_wait3A_204 = tpu.memref_squeeze %dma_wait3A_203 : memref<1x128xi32, #tpu.memory_space<vmem>> -> memref<128xi32, #tpu.memory_space<vmem>>
      %dma_wait3A_205 = tpu.memref_slice %arg3[%add3A_24] : memref<16384xi32, #tpu.memory_space<hbm>> -> memref<128xi32, #tpu.memory_space<hbm>>
      tpu.wait_dma2 semaphore(%run_scoped3A_189 : memref<!tpu.dma_semaphore, #tpu.memory_space<semaphore_mem>>) src(%dma_wait3A_205 : memref<128xi32, #tpu.memory_space<hbm>>) dst(%dma_wait3A_204 : memref<128xi32, #tpu.memory_space<vmem>>)
      tpu.yield
    }) : () -> ()
    %dma_start3A = arith.constant 0 : i32
    %dma_start3A_26 = arith.constant 0 : i32
    %dma_start3A_27 = arith.constant 0 : i32
    %dma_start3A_28 = tpu.memref_slice %arg11[%dma_start3A_26, %dma_start3A_27] : memref<512x64xf32, #tpu.memory_space<vmem>> -> memref<128x64xf32, #tpu.memory_space<vmem>>
    %dma_start3A_29 = arith.constant 0 : i32
    %dma_start3A_30 = tpu.memref_slice %arg9[%dma_start3A, %dma_start3A_29] : memref<4x128xi32, #tpu.memory_space<vmem>> -> memref<1x128xi32, #tpu.memory_space<vmem>>
    %dma_start3A_31 = tpu.memref_squeeze %dma_start3A_30 : memref<1x128xi32, #tpu.memory_space<vmem>> -> memref<128xi32, #tpu.memory_space<vmem>>
    %dma_start3A_32 = arith.constant 0 : i32
    %dma_start3A_33 = arith.constant 0 : i32
    %dma_start3A_34 = tpu.memref_slice %arg4[%dma_start3A_32, %dma_start3A_33] : memref<1000000x64xf32, #tpu.memory_space<hbm>> -> memref<1000000x64xf32, #tpu.memory_space<hbm>>
    tpu.enqueue_indirect_dma source(%dma_start3A_34 : memref<1000000x64xf32, #tpu.memory_space<hbm>>) target(%dma_start3A_28 : memref<128x64xf32, #tpu.memory_space<vmem>>) offsets(%dma_start3A_31 : memref<128xi32, #tpu.memory_space<vmem>>) semaphore(%arg15 : memref<!tpu.dma_semaphore, #tpu.memory_space<semaphore_mem>>)
    %dma_start3A_35 = arith.constant 0 : i32
    %dma_start3A_36 = arith.constant 0 : i32
    %dma_start3A_37 = arith.constant 0 : i32
    %dma_start3A_38 = tpu.memref_slice %arg12[%dma_start3A_36, %dma_start3A_37] : memref<512x64xf32, #tpu.memory_space<vmem>> -> memref<128x64xf32, #tpu.memory_space<vmem>>
    %dma_start3A_39 = arith.constant 0 : i32
    %dma_start3A_40 = tpu.memref_slice %arg10[%dma_start3A_35, %dma_start3A_39] : memref<4x128xi32, #tpu.memory_space<vmem>> -> memref<1x128xi32, #tpu.memory_space<vmem>>
    %dma_start3A_41 = tpu.memref_squeeze %dma_start3A_40 : memref<1x128xi32, #tpu.memory_space<vmem>> -> memref<128xi32, #tpu.memory_space<vmem>>
    %dma_start3A_42 = arith.constant 0 : i32
    %dma_start3A_43 = arith.constant 0 : i32
    %dma_start3A_44 = tpu.memref_slice %arg5[%dma_start3A_42, %dma_start3A_43] : memref<1000000x64xf32, #tpu.memory_space<hbm>> -> memref<1000000x64xf32, #tpu.memory_space<hbm>>
    tpu.enqueue_indirect_dma source(%dma_start3A_44 : memref<1000000x64xf32, #tpu.memory_space<hbm>>) target(%dma_start3A_38 : memref<128x64xf32, #tpu.memory_space<vmem>>) offsets(%dma_start3A_41 : memref<128xi32, #tpu.memory_space<vmem>>) semaphore(%arg16 : memref<!tpu.dma_semaphore, #tpu.memory_space<semaphore_mem>>)
    %dma_start3A_45 = arith.constant 1 : i32
    %dma_start3A_46 = arith.constant 128 : i32
    %dma_start3A_47 = arith.constant 0 : i32
    %dma_start3A_48 = tpu.memref_slice %arg11[%dma_start3A_46, %dma_start3A_47] : memref<512x64xf32, #tpu.memory_space<vmem>> -> memref<128x64xf32, #tpu.memory_space<vmem>>
    %dma_start3A_49 = arith.constant 0 : i32
    %dma_start3A_50 = tpu.memref_slice %arg9[%dma_start3A_45, %dma_start3A_49] : memref<4x128xi32, #tpu.memory_space<vmem>> -> memref<1x128xi32, #tpu.memory_space<vmem>>
    %dma_start3A_51 = tpu.memref_squeeze %dma_start3A_50 : memref<1x128xi32, #tpu.memory_space<vmem>> -> memref<128xi32, #tpu.memory_space<vmem>>
    %dma_start3A_52 = arith.constant 0 : i32
    %dma_start3A_53 = arith.constant 0 : i32
    %dma_start3A_54 = tpu.memref_slice %arg4[%dma_start3A_52, %dma_start3A_53] : memref<1000000x64xf32, #tpu.memory_space<hbm>> -> memref<1000000x64xf32, #tpu.memory_space<hbm>>
    tpu.enqueue_indirect_dma source(%dma_start3A_54 : memref<1000000x64xf32, #tpu.memory_space<hbm>>) target(%dma_start3A_48 : memref<128x64xf32, #tpu.memory_space<vmem>>) offsets(%dma_start3A_51 : memref<128xi32, #tpu.memory_space<vmem>>) semaphore(%arg15 : memref<!tpu.dma_semaphore, #tpu.memory_space<semaphore_mem>>)
    %dma_start3A_55 = arith.constant 1 : i32
    %dma_start3A_56 = arith.constant 128 : i32
    %dma_start3A_57 = arith.constant 0 : i32
    %dma_start3A_58 = tpu.memref_slice %arg12[%dma_start3A_56, %dma_start3A_57] : memref<512x64xf32, #tpu.memory_space<vmem>> -> memref<128x64xf32, #tpu.memory_space<vmem>>
    %dma_start3A_59 = arith.constant 0 : i32
    %dma_start3A_60 = tpu.memref_slice %arg10[%dma_start3A_55, %dma_start3A_59] : memref<4x128xi32, #tpu.memory_space<vmem>> -> memref<1x128xi32, #tpu.memory_space<vmem>>
    %dma_start3A_61 = tpu.memref_squeeze %dma_start3A_60 : memref<1x128xi32, #tpu.memory_space<vmem>> -> memref<128xi32, #tpu.memory_space<vmem>>
    %dma_start3A_62 = arith.constant 0 : i32
    %dma_start3A_63 = arith.constant 0 : i32
    %dma_start3A_64 = tpu.memref_slice %arg5[%dma_start3A_62, %dma_start3A_63] : memref<1000000x64xf32, #tpu.memory_space<hbm>> -> memref<1000000x64xf32, #tpu.memory_space<hbm>>
    tpu.enqueue_indirect_dma source(%dma_start3A_64 : memref<1000000x64xf32, #tpu.memory_space<hbm>>) target(%dma_start3A_58 : memref<128x64xf32, #tpu.memory_space<vmem>>) offsets(%dma_start3A_61 : memref<128xi32, #tpu.memory_space<vmem>>) semaphore(%arg16 : memref<!tpu.dma_semaphore, #tpu.memory_space<semaphore_mem>>)
    %dma_start3A_65 = arith.constant 2 : i32
    %dma_start3A_66 = arith.constant 256 : i32
    %dma_start3A_67 = arith.constant 0 : i32
    %dma_start3A_68 = tpu.memref_slice %arg11[%dma_start3A_66, %dma_start3A_67] : memref<512x64xf32, #tpu.memory_space<vmem>> -> memref<128x64xf32, #tpu.memory_space<vmem>>
    %dma_start3A_69 = arith.constant 0 : i32
    %dma_start3A_70 = tpu.memref_slice %arg9[%dma_start3A_65, %dma_start3A_69] : memref<4x128xi32, #tpu.memory_space<vmem>> -> memref<1x128xi32, #tpu.memory_space<vmem>>
    %dma_start3A_71 = tpu.memref_squeeze %dma_start3A_70 : memref<1x128xi32, #tpu.memory_space<vmem>> -> memref<128xi32, #tpu.memory_space<vmem>>
    %dma_start3A_72 = arith.constant 0 : i32
    %dma_start3A_73 = arith.constant 0 : i32
    %dma_start3A_74 = tpu.memref_slice %arg4[%dma_start3A_72, %dma_start3A_73] : memref<1000000x64xf32, #tpu.memory_space<hbm>> -> memref<1000000x64xf32, #tpu.memory_space<hbm>>
    tpu.enqueue_indirect_dma source(%dma_start3A_74 : memref<1000000x64xf32, #tpu.memory_space<hbm>>) target(%dma_start3A_68 : memref<128x64xf32, #tpu.memory_space<vmem>>) offsets(%dma_start3A_71 : memref<128xi32, #tpu.memory_space<vmem>>) semaphore(%arg15 : memref<!tpu.dma_semaphore, #tpu.memory_space<semaphore_mem>>)
    %dma_start3A_75 = arith.constant 2 : i32
    %dma_start3A_76 = arith.constant 256 : i32
    %dma_start3A_77 = arith.constant 0 : i32
    %dma_start3A_78 = tpu.memref_slice %arg12[%dma_start3A_76, %dma_start3A_77] : memref<512x64xf32, #tpu.memory_space<vmem>> -> memref<128x64xf32, #tpu.memory_space<vmem>>
    %dma_start3A_79 = arith.constant 0 : i32
    %dma_start3A_80 = tpu.memref_slice %arg10[%dma_start3A_75, %dma_start3A_79] : memref<4x128xi32, #tpu.memory_space<vmem>> -> memref<1x128xi32, #tpu.memory_space<vmem>>
    %dma_start3A_81 = tpu.memref_squeeze %dma_start3A_80 : memref<1x128xi32, #tpu.memory_space<vmem>> -> memref<128xi32, #tpu.memory_space<vmem>>
    %dma_start3A_82 = arith.constant 0 : i32
    %dma_start3A_83 = arith.constant 0 : i32
    %dma_start3A_84 = tpu.memref_slice %arg5[%dma_start3A_82, %dma_start3A_83] : memref<1000000x64xf32, #tpu.memory_space<hbm>> -> memref<1000000x64xf32, #tpu.memory_space<hbm>>
    tpu.enqueue_indirect_dma source(%dma_start3A_84 : memref<1000000x64xf32, #tpu.memory_space<hbm>>) target(%dma_start3A_78 : memref<128x64xf32, #tpu.memory_space<vmem>>) offsets(%dma_start3A_81 : memref<128xi32, #tpu.memory_space<vmem>>) semaphore(%arg16 : memref<!tpu.dma_semaphore, #tpu.memory_space<semaphore_mem>>)
    %dma_start3A_85 = arith.constant 3 : i32
    %dma_start3A_86 = arith.constant 384 : i32
    %dma_start3A_87 = arith.constant 0 : i32
    %dma_start3A_88 = tpu.memref_slice %arg11[%dma_start3A_86, %dma_start3A_87] : memref<512x64xf32, #tpu.memory_space<vmem>> -> memref<128x64xf32, #tpu.memory_space<vmem>>
    %dma_start3A_89 = arith.constant 0 : i32
    %dma_start3A_90 = tpu.memref_slice %arg9[%dma_start3A_85, %dma_start3A_89] : memref<4x128xi32, #tpu.memory_space<vmem>> -> memref<1x128xi32, #tpu.memory_space<vmem>>
    %dma_start3A_91 = tpu.memref_squeeze %dma_start3A_90 : memref<1x128xi32, #tpu.memory_space<vmem>> -> memref<128xi32, #tpu.memory_space<vmem>>
    %dma_start3A_92 = arith.constant 0 : i32
    %dma_start3A_93 = arith.constant 0 : i32
    %dma_start3A_94 = tpu.memref_slice %arg4[%dma_start3A_92, %dma_start3A_93] : memref<1000000x64xf32, #tpu.memory_space<hbm>> -> memref<1000000x64xf32, #tpu.memory_space<hbm>>
    tpu.enqueue_indirect_dma source(%dma_start3A_94 : memref<1000000x64xf32, #tpu.memory_space<hbm>>) target(%dma_start3A_88 : memref<128x64xf32, #tpu.memory_space<vmem>>) offsets(%dma_start3A_91 : memref<128xi32, #tpu.memory_space<vmem>>) semaphore(%arg15 : memref<!tpu.dma_semaphore, #tpu.memory_space<semaphore_mem>>)
    %dma_start3A_95 = arith.constant 3 : i32
    %dma_start3A_96 = arith.constant 384 : i32
    %dma_start3A_97 = arith.constant 0 : i32
    %dma_start3A_98 = tpu.memref_slice %arg12[%dma_start3A_96, %dma_start3A_97] : memref<512x64xf32, #tpu.memory_space<vmem>> -> memref<128x64xf32, #tpu.memory_space<vmem>>
    %dma_start3A_99 = arith.constant 0 : i32
    %dma_start3A_100 = tpu.memref_slice %arg10[%dma_start3A_95, %dma_start3A_99] : memref<4x128xi32, #tpu.memory_space<vmem>> -> memref<1x128xi32, #tpu.memory_space<vmem>>
    %dma_start3A_101 = tpu.memref_squeeze %dma_start3A_100 : memref<1x128xi32, #tpu.memory_space<vmem>> -> memref<128xi32, #tpu.memory_space<vmem>>
    %dma_start3A_102 = arith.constant 0 : i32
    %dma_start3A_103 = arith.constant 0 : i32
    %dma_start3A_104 = tpu.memref_slice %arg5[%dma_start3A_102, %dma_start3A_103] : memref<1000000x64xf32, #tpu.memory_space<hbm>> -> memref<1000000x64xf32, #tpu.memory_space<hbm>>
    tpu.enqueue_indirect_dma source(%dma_start3A_104 : memref<1000000x64xf32, #tpu.memory_space<hbm>>) target(%dma_start3A_98 : memref<128x64xf32, #tpu.memory_space<vmem>>) offsets(%dma_start3A_101 : memref<128xi32, #tpu.memory_space<vmem>>) semaphore(%arg16 : memref<!tpu.dma_semaphore, #tpu.memory_space<semaphore_mem>>)
    %dma_wait3A = arith.constant 0 : i32
    %dma_wait3A_105 = arith.constant 0 : i32
    %dma_wait3A_106 = arith.constant 0 : i32
    %dma_wait3A_107 = tpu.memref_slice %arg11[%dma_wait3A_105, %dma_wait3A_106] : memref<512x64xf32, #tpu.memory_space<vmem>> -> memref<128x64xf32, #tpu.memory_space<vmem>>
    %dma_wait3A_108 = arith.constant 0 : i32
    %dma_wait3A_109 = tpu.memref_slice %arg9[%dma_wait3A, %dma_wait3A_108] : memref<4x128xi32, #tpu.memory_space<vmem>> -> memref<1x128xi32, #tpu.memory_space<vmem>>
    %dma_wait3A_110 = tpu.memref_squeeze %dma_wait3A_109 : memref<1x128xi32, #tpu.memory_space<vmem>> -> memref<128xi32, #tpu.memory_space<vmem>>
    %dma_wait3A_111 = arith.constant 0 : i32
    %dma_wait3A_112 = arith.constant 0 : i32
    %dma_wait3A_113 = tpu.memref_slice %arg4[%dma_wait3A_111, %dma_wait3A_112] : memref<1000000x64xf32, #tpu.memory_space<hbm>> -> memref<1000000x64xf32, #tpu.memory_space<hbm>>
    tpu.wait_indirect_dma semaphore(%arg15 : memref<!tpu.dma_semaphore, #tpu.memory_space<semaphore_mem>>) src(%dma_wait3A_113 : memref<1000000x64xf32, #tpu.memory_space<hbm>>) dst(%dma_wait3A_107 : memref<128x64xf32, #tpu.memory_space<vmem>>)
    %dma_wait3A_114 = arith.constant 0 : i32
    %dma_wait3A_115 = arith.constant 0 : i32
    %dma_wait3A_116 = arith.constant 0 : i32
    %dma_wait3A_117 = tpu.memref_slice %arg12[%dma_wait3A_115, %dma_wait3A_116] : memref<512x64xf32, #tpu.memory_space<vmem>> -> memref<128x64xf32, #tpu.memory_space<vmem>>
    %dma_wait3A_118 = arith.constant 0 : i32
    %dma_wait3A_119 = tpu.memref_slice %arg10[%dma_wait3A_114, %dma_wait3A_118] : memref<4x128xi32, #tpu.memory_space<vmem>> -> memref<1x128xi32, #tpu.memory_space<vmem>>
    %dma_wait3A_120 = tpu.memref_squeeze %dma_wait3A_119 : memref<1x128xi32, #tpu.memory_space<vmem>> -> memref<128xi32, #tpu.memory_space<vmem>>
    %dma_wait3A_121 = arith.constant 0 : i32
    %dma_wait3A_122 = arith.constant 0 : i32
    %dma_wait3A_123 = tpu.memref_slice %arg5[%dma_wait3A_121, %dma_wait3A_122] : memref<1000000x64xf32, #tpu.memory_space<hbm>> -> memref<1000000x64xf32, #tpu.memory_space<hbm>>
    tpu.wait_indirect_dma semaphore(%arg16 : memref<!tpu.dma_semaphore, #tpu.memory_space<semaphore_mem>>) src(%dma_wait3A_123 : memref<1000000x64xf32, #tpu.memory_space<hbm>>) dst(%dma_wait3A_117 : memref<128x64xf32, #tpu.memory_space<vmem>>)
    %dma_wait3A_124 = arith.constant 1 : i32
    %dma_wait3A_125 = arith.constant 128 : i32
    %dma_wait3A_126 = arith.constant 0 : i32
    %dma_wait3A_127 = tpu.memref_slice %arg11[%dma_wait3A_125, %dma_wait3A_126] : memref<512x64xf32, #tpu.memory_space<vmem>> -> memref<128x64xf32, #tpu.memory_space<vmem>>
    %dma_wait3A_128 = arith.constant 0 : i32
    %dma_wait3A_129 = tpu.memref_slice %arg9[%dma_wait3A_124, %dma_wait3A_128] : memref<4x128xi32, #tpu.memory_space<vmem>> -> memref<1x128xi32, #tpu.memory_space<vmem>>
    %dma_wait3A_130 = tpu.memref_squeeze %dma_wait3A_129 : memref<1x128xi32, #tpu.memory_space<vmem>> -> memref<128xi32, #tpu.memory_space<vmem>>
    %dma_wait3A_131 = arith.constant 0 : i32
    %dma_wait3A_132 = arith.constant 0 : i32
    %dma_wait3A_133 = tpu.memref_slice %arg4[%dma_wait3A_131, %dma_wait3A_132] : memref<1000000x64xf32, #tpu.memory_space<hbm>> -> memref<1000000x64xf32, #tpu.memory_space<hbm>>
    tpu.wait_indirect_dma semaphore(%arg15 : memref<!tpu.dma_semaphore, #tpu.memory_space<semaphore_mem>>) src(%dma_wait3A_133 : memref<1000000x64xf32, #tpu.memory_space<hbm>>) dst(%dma_wait3A_127 : memref<128x64xf32, #tpu.memory_space<vmem>>)
    %dma_wait3A_134 = arith.constant 1 : i32
    %dma_wait3A_135 = arith.constant 128 : i32
    %dma_wait3A_136 = arith.constant 0 : i32
    %dma_wait3A_137 = tpu.memref_slice %arg12[%dma_wait3A_135, %dma_wait3A_136] : memref<512x64xf32, #tpu.memory_space<vmem>> -> memref<128x64xf32, #tpu.memory_space<vmem>>
    %dma_wait3A_138 = arith.constant 0 : i32
    %dma_wait3A_139 = tpu.memref_slice %arg10[%dma_wait3A_134, %dma_wait3A_138] : memref<4x128xi32, #tpu.memory_space<vmem>> -> memref<1x128xi32, #tpu.memory_space<vmem>>
    %dma_wait3A_140 = tpu.memref_squeeze %dma_wait3A_139 : memref<1x128xi32, #tpu.memory_space<vmem>> -> memref<128xi32, #tpu.memory_space<vmem>>
    %dma_wait3A_141 = arith.constant 0 : i32
    %dma_wait3A_142 = arith.constant 0 : i32
    %dma_wait3A_143 = tpu.memref_slice %arg5[%dma_wait3A_141, %dma_wait3A_142] : memref<1000000x64xf32, #tpu.memory_space<hbm>> -> memref<1000000x64xf32, #tpu.memory_space<hbm>>
    tpu.wait_indirect_dma semaphore(%arg16 : memref<!tpu.dma_semaphore, #tpu.memory_space<semaphore_mem>>) src(%dma_wait3A_143 : memref<1000000x64xf32, #tpu.memory_space<hbm>>) dst(%dma_wait3A_137 : memref<128x64xf32, #tpu.memory_space<vmem>>)
    %dma_wait3A_144 = arith.constant 2 : i32
    %dma_wait3A_145 = arith.constant 256 : i32
    %dma_wait3A_146 = arith.constant 0 : i32
    %dma_wait3A_147 = tpu.memref_slice %arg11[%dma_wait3A_145, %dma_wait3A_146] : memref<512x64xf32, #tpu.memory_space<vmem>> -> memref<128x64xf32, #tpu.memory_space<vmem>>
    %dma_wait3A_148 = arith.constant 0 : i32
    %dma_wait3A_149 = tpu.memref_slice %arg9[%dma_wait3A_144, %dma_wait3A_148] : memref<4x128xi32, #tpu.memory_space<vmem>> -> memref<1x128xi32, #tpu.memory_space<vmem>>
    %dma_wait3A_150 = tpu.memref_squeeze %dma_wait3A_149 : memref<1x128xi32, #tpu.memory_space<vmem>> -> memref<128xi32, #tpu.memory_space<vmem>>
    %dma_wait3A_151 = arith.constant 0 : i32
    %dma_wait3A_152 = arith.constant 0 : i32
    %dma_wait3A_153 = tpu.memref_slice %arg4[%dma_wait3A_151, %dma_wait3A_152] : memref<1000000x64xf32, #tpu.memory_space<hbm>> -> memref<1000000x64xf32, #tpu.memory_space<hbm>>
    tpu.wait_indirect_dma semaphore(%arg15 : memref<!tpu.dma_semaphore, #tpu.memory_space<semaphore_mem>>) src(%dma_wait3A_153 : memref<1000000x64xf32, #tpu.memory_space<hbm>>) dst(%dma_wait3A_147 : memref<128x64xf32, #tpu.memory_space<vmem>>)
    %dma_wait3A_154 = arith.constant 2 : i32
    %dma_wait3A_155 = arith.constant 256 : i32
    %dma_wait3A_156 = arith.constant 0 : i32
    %dma_wait3A_157 = tpu.memref_slice %arg12[%dma_wait3A_155, %dma_wait3A_156] : memref<512x64xf32, #tpu.memory_space<vmem>> -> memref<128x64xf32, #tpu.memory_space<vmem>>
    %dma_wait3A_158 = arith.constant 0 : i32
    %dma_wait3A_159 = tpu.memref_slice %arg10[%dma_wait3A_154, %dma_wait3A_158] : memref<4x128xi32, #tpu.memory_space<vmem>> -> memref<1x128xi32, #tpu.memory_space<vmem>>
    %dma_wait3A_160 = tpu.memref_squeeze %dma_wait3A_159 : memref<1x128xi32, #tpu.memory_space<vmem>> -> memref<128xi32, #tpu.memory_space<vmem>>
    %dma_wait3A_161 = arith.constant 0 : i32
    %dma_wait3A_162 = arith.constant 0 : i32
    %dma_wait3A_163 = tpu.memref_slice %arg5[%dma_wait3A_161, %dma_wait3A_162] : memref<1000000x64xf32, #tpu.memory_space<hbm>> -> memref<1000000x64xf32, #tpu.memory_space<hbm>>
    tpu.wait_indirect_dma semaphore(%arg16 : memref<!tpu.dma_semaphore, #tpu.memory_space<semaphore_mem>>) src(%dma_wait3A_163 : memref<1000000x64xf32, #tpu.memory_space<hbm>>) dst(%dma_wait3A_157 : memref<128x64xf32, #tpu.memory_space<vmem>>)
    %dma_wait3A_164 = arith.constant 3 : i32
    %dma_wait3A_165 = arith.constant 384 : i32
    %dma_wait3A_166 = arith.constant 0 : i32
    %dma_wait3A_167 = tpu.memref_slice %arg11[%dma_wait3A_165, %dma_wait3A_166] : memref<512x64xf32, #tpu.memory_space<vmem>> -> memref<128x64xf32, #tpu.memory_space<vmem>>
    %dma_wait3A_168 = arith.constant 0 : i32
    %dma_wait3A_169 = tpu.memref_slice %arg9[%dma_wait3A_164, %dma_wait3A_168] : memref<4x128xi32, #tpu.memory_space<vmem>> -> memref<1x128xi32, #tpu.memory_space<vmem>>
    %dma_wait3A_170 = tpu.memref_squeeze %dma_wait3A_169 : memref<1x128xi32, #tpu.memory_space<vmem>> -> memref<128xi32, #tpu.memory_space<vmem>>
    %dma_wait3A_171 = arith.constant 0 : i32
    %dma_wait3A_172 = arith.constant 0 : i32
    %dma_wait3A_173 = tpu.memref_slice %arg4[%dma_wait3A_171, %dma_wait3A_172] : memref<1000000x64xf32, #tpu.memory_space<hbm>> -> memref<1000000x64xf32, #tpu.memory_space<hbm>>
    tpu.wait_indirect_dma semaphore(%arg15 : memref<!tpu.dma_semaphore, #tpu.memory_space<semaphore_mem>>) src(%dma_wait3A_173 : memref<1000000x64xf32, #tpu.memory_space<hbm>>) dst(%dma_wait3A_167 : memref<128x64xf32, #tpu.memory_space<vmem>>)
    %dma_wait3A_174 = arith.constant 3 : i32
    %dma_wait3A_175 = arith.constant 384 : i32
    %dma_wait3A_176 = arith.constant 0 : i32
    %dma_wait3A_177 = tpu.memref_slice %arg12[%dma_wait3A_175, %dma_wait3A_176] : memref<512x64xf32, #tpu.memory_space<vmem>> -> memref<128x64xf32, #tpu.memory_space<vmem>>
    %dma_wait3A_178 = arith.constant 0 : i32
    %dma_wait3A_179 = tpu.memref_slice %arg10[%dma_wait3A_174, %dma_wait3A_178] : memref<4x128xi32, #tpu.memory_space<vmem>> -> memref<1x128xi32, #tpu.memory_space<vmem>>
    %dma_wait3A_180 = tpu.memref_squeeze %dma_wait3A_179 : memref<1x128xi32, #tpu.memory_space<vmem>> -> memref<128xi32, #tpu.memory_space<vmem>>
    %dma_wait3A_181 = arith.constant 0 : i32
    %dma_wait3A_182 = arith.constant 0 : i32
    %dma_wait3A_183 = tpu.memref_slice %arg5[%dma_wait3A_181, %dma_wait3A_182] : memref<1000000x64xf32, #tpu.memory_space<hbm>> -> memref<1000000x64xf32, #tpu.memory_space<hbm>>
    tpu.wait_indirect_dma semaphore(%arg16 : memref<!tpu.dma_semaphore, #tpu.memory_space<semaphore_mem>>) src(%dma_wait3A_183 : memref<1000000x64xf32, #tpu.memory_space<hbm>>) dst(%dma_wait3A_177 : memref<128x64xf32, #tpu.memory_space<vmem>>)
    %iota3A = tpu.iota {dimensions = array<i32: 0>} : vector<16xi32>
    %scan3A = arith.constant 0 : i32
    %scan3A_184 = arith.constant 0 : i32
    %scan3A_185 = arith.constant 32 : i32
    %scan3A_186 = arith.addi %scan3A_184, %scan3A_185 : i32
    %scan3A_187 = arith.constant 1 : i32
    scf.for %scan3A_189 = %scan3A_184 to %scan3A_186 step %scan3A_187  : i32 {
      %mul3A_190 = arith.constant 16 : i32
      %mul3A_191 = arith.muli %scan3A_189, %mul3A_190 : i32
      %add3A_192 = arith.constant 0 : i32
      %add3A_193 = arith.addi %mul3A_191, %add3A_192 : i32
      %get3A = arith.index_cast %add3A_193 : i32 to index
      %get3A_194 = arith.constant 0 : index
      %get3A_195 = tpu.vector_load %arg11[%get3A, %get3A_194] {strides = array<i32>} : memref<512x64xf32, #tpu.memory_space<vmem>>, vector<16xf32>,
      %get3A_196 = arith.index_cast %add3A_193 : i32 to index
      %get3A_197 = arith.constant 0 : index
      %get3A_198 = tpu.vector_load %arg12[%get3A_196, %get3A_197] {strides = array<i32>} : memref<512x64xf32, #tpu.memory_space<vmem>>, vector<16xf32>,
      %mul3A_199 = arith.mulf %get3A_195, %get3A_198 : vector<16xf32>
      %get3A_200 = arith.index_cast %add3A_193 : i32 to index
      %get3A_201 = arith.constant 16 : index
      %get3A_202 = tpu.vector_load %arg11[%get3A_200, %get3A_201] {strides = array<i32>} : memref<512x64xf32, #tpu.memory_space<vmem>>, vector<16xf32>,
      %get3A_203 = arith.index_cast %add3A_193 : i32 to index
      %get3A_204 = arith.constant 16 : index
      %get3A_205 = tpu.vector_load %arg12[%get3A_203, %get3A_204] {strides = array<i32>} : memref<512x64xf32, #tpu.memory_space<vmem>>, vector<16xf32>,
      %mul3A_206 = arith.mulf %get3A_202, %get3A_205 : vector<16xf32>
      %add3A_207 = arith.addf %mul3A_199, %mul3A_206 : vector<16xf32>
      %get3A_208 = arith.index_cast %add3A_193 : i32 to index
      %get3A_209 = arith.constant 32 : index
      %get3A_210 = tpu.vector_load %arg11[%get3A_208, %get3A_209] {strides = array<i32>} : memref<512x64xf32, #tpu.memory_space<vmem>>, vector<16xf32>,
      %get3A_211 = arith.index_cast %add3A_193 : i32 to index
      %get3A_212 = arith.constant 32 : index
      %get3A_213 = tpu.vector_load %arg12[%get3A_211, %get3A_212] {strides = array<i32>} : memref<512x64xf32, #tpu.memory_space<vmem>>, vector<16xf32>,
      %mul3A_214 = arith.mulf %get3A_210, %get3A_213 : vector<16xf32>
      %add3A_215 = arith.addf %add3A_207, %mul3A_214 : vector<16xf32>
      %get3A_216 = arith.index_cast %add3A_193 : i32 to index
      %get3A_217 = arith.constant 48 : index
      %get3A_218 = tpu.vector_load %arg11[%get3A_216, %get3A_217] {strides = array<i32>} : memref<512x64xf32, #tpu.memory_space<vmem>>, vector<16xf32>,
      %get3A_219 = arith.index_cast %add3A_193 : i32 to index
      %get3A_220 = arith.constant 48 : index
      %get3A_221 = tpu.vector_load %arg12[%get3A_219, %get3A_220] {strides = array<i32>} : memref<512x64xf32, #tpu.memory_space<vmem>>, vector<16xf32>,
      %mul3A_222 = arith.mulf %get3A_218, %get3A_221 : vector<16xf32>
      %add3A_223 = arith.addf %add3A_215, %mul3A_222 : vector<16xf32>
      %mul3A_224 = arith.constant 16 : i32
      %mul3A_225 = vector.broadcast %mul3A_224 : i32 to vector<16xi32>
      %mul3A_226 = arith.muli %iota3A, %mul3A_225 : vector<16xi32>
      %add3A_227 = arith.constant 0 : i32
      %add3A_228 = vector.broadcast %add3A_227 : i32 to vector<16xi32>
      %add3A_229 = arith.addi %mul3A_226, %add3A_228 : vector<16xi32>
      tpu.vector_store_idx %arg13[%add3A_229], %add3A_223 : memref<256xf32, #tpu.memory_space<vmem>>[vector<16xi32>], vector<16xf32>,
      %add3A_230 = arith.constant 1 : i32
      %add3A_231 = arith.addi %mul3A_191, %add3A_230 : i32
      %get3A_232 = arith.index_cast %add3A_231 : i32 to index
      %get3A_233 = arith.constant 0 : index
      %get3A_234 = tpu.vector_load %arg11[%get3A_232, %get3A_233] {strides = array<i32>} : memref<512x64xf32, #tpu.memory_space<vmem>>, vector<16xf32>,
      %get3A_235 = arith.index_cast %add3A_231 : i32 to index
      %get3A_236 = arith.constant 0 : index
      %get3A_237 = tpu.vector_load %arg12[%get3A_235, %get3A_236] {strides = array<i32>} : memref<512x64xf32, #tpu.memory_space<vmem>>, vector<16xf32>,
      %mul3A_238 = arith.mulf %get3A_234, %get3A_237 : vector<16xf32>
      %get3A_239 = arith.index_cast %add3A_231 : i32 to index
      %get3A_240 = arith.constant 16 : index
      %get3A_241 = tpu.vector_load %arg11[%get3A_239, %get3A_240] {strides = array<i32>} : memref<512x64xf32, #tpu.memory_space<vmem>>, vector<16xf32>,
      %get3A_242 = arith.index_cast %add3A_231 : i32 to index
      %get3A_243 = arith.constant 16 : index
      %get3A_244 = tpu.vector_load %arg12[%get3A_242, %get3A_243] {strides = array<i32>} : memref<512x64xf32, #tpu.memory_space<vmem>>, vector<16xf32>,
      %mul3A_245 = arith.mulf %get3A_241, %get3A_244 : vector<16xf32>
      %add3A_246 = arith.addf %mul3A_238, %mul3A_245 : vector<16xf32>
      %get3A_247 = arith.index_cast %add3A_231 : i32 to index
      %get3A_248 = arith.constant 32 : index
      %get3A_249 = tpu.vector_load %arg11[%get3A_247, %get3A_248] {strides = array<i32>} : memref<512x64xf32, #tpu.memory_space<vmem>>, vector<16xf32>,
      %get3A_250 = arith.index_cast %add3A_231 : i32 to index
      %get3A_251 = arith.constant 32 : index
      %get3A_252 = tpu.vector_load %arg12[%get3A_250, %get3A_251] {strides = array<i32>} : memref<512x64xf32, #tpu.memory_space<vmem>>, vector<16xf32>,
      %mul3A_253 = arith.mulf %get3A_249, %get3A_252 : vector<16xf32>
      %add3A_254 = arith.addf %add3A_246, %mul3A_253 : vector<16xf32>
      %get3A_255 = arith.index_cast %add3A_231 : i32 to index
      %get3A_256 = arith.constant 48 : index
      %get3A_257 = tpu.vector_load %arg11[%get3A_255, %get3A_256] {strides = array<i32>} : memref<512x64xf32, #tpu.memory_space<vmem>>, vector<16xf32>,
      %get3A_258 = arith.index_cast %add3A_231 : i32 to index
      %get3A_259 = arith.constant 48 : index
      %get3A_260 = tpu.vector_load %arg12[%get3A_258, %get3A_259] {strides = array<i32>} : memref<512x64xf32, #tpu.memory_space<vmem>>, vector<16xf32>,
      %mul3A_261 = arith.mulf %get3A_257, %get3A_260 : vector<16xf32>
      %add3A_262 = arith.addf %add3A_254, %mul3A_261 : vector<16xf32>
      %mul3A_263 = arith.constant 16 : i32
      %mul3A_264 = vector.broadcast %mul3A_263 : i32 to vector<16xi32>
      %mul3A_265 = arith.muli %iota3A, %mul3A_264 : vector<16xi32>
      %add3A_266 = arith.constant 1 : i32
      %add3A_267 = vector.broadcast %add3A_266 : i32 to vector<16xi32>
      %add3A_268 = arith.addi %mul3A_265, %add3A_267 : vector<16xi32>
      tpu.vector_store_idx %arg13[%add3A_268], %add3A_262 : memref<256xf32, #tpu.memory_space<vmem>>[vector<16xi32>], vector<16xf32>,
      %add3A_269 = arith.constant 2 : i32
      %add3A_270 = arith.addi %mul3A_191, %add3A_269 : i32
      %get3A_271 = arith.index_cast %add3A_270 : i32 to index
      %get3A_272 = arith.constant 0 : index
      %get3A_273 = tpu.vector_load %arg11[%get3A_271, %get3A_272] {strides = array<i32>} : memref<512x64xf32, #tpu.memory_space<vmem>>, vector<16xf32>,
      %get3A_274 = arith.index_cast %add3A_270 : i32 to index
      %get3A_275 = arith.constant 0 : index
      %get3A_276 = tpu.vector_load %arg12[%get3A_274, %get3A_275] {strides = array<i32>} : memref<512x64xf32, #tpu.memory_space<vmem>>, vector<16xf32>,
      %mul3A_277 = arith.mulf %get3A_273, %get3A_276 : vector<16xf32>
      %get3A_278 = arith.index_cast %add3A_270 : i32 to index
      %get3A_279 = arith.constant 16 : index
      %get3A_280 = tpu.vector_load %arg11[%get3A_278, %get3A_279] {strides = array<i32>} : memref<512x64xf32, #tpu.memory_space<vmem>>, vector<16xf32>,
      %get3A_281 = arith.index_cast %add3A_270 : i32 to index
      %get3A_282 = arith.constant 16 : index
      %get3A_283 = tpu.vector_load %arg12[%get3A_281, %get3A_282] {strides = array<i32>} : memref<512x64xf32, #tpu.memory_space<vmem>>, vector<16xf32>,
      %mul3A_284 = arith.mulf %get3A_280, %get3A_283 : vector<16xf32>
      %add3A_285 = arith.addf %mul3A_277, %mul3A_284 : vector<16xf32>
      %get3A_286 = arith.index_cast %add3A_270 : i32 to index
      %get3A_287 = arith.constant 32 : index
      %get3A_288 = tpu.vector_load %arg11[%get3A_286, %get3A_287] {strides = array<i32>} : memref<512x64xf32, #tpu.memory_space<vmem>>, vector<16xf32>,
      %get3A_289 = arith.index_cast %add3A_270 : i32 to index
      %get3A_290 = arith.constant 32 : index
      %get3A_291 = tpu.vector_load %arg12[%get3A_289, %get3A_290] {strides = array<i32>} : memref<512x64xf32, #tpu.memory_space<vmem>>, vector<16xf32>,
      %mul3A_292 = arith.mulf %get3A_288, %get3A_291 : vector<16xf32>
      %add3A_293 = arith.addf %add3A_285, %mul3A_292 : vector<16xf32>
      %get3A_294 = arith.index_cast %add3A_270 : i32 to index
      %get3A_295 = arith.constant 48 : index
      %get3A_296 = tpu.vector_load %arg11[%get3A_294, %get3A_295] {strides = array<i32>} : memref<512x64xf32, #tpu.memory_space<vmem>>, vector<16xf32>,
      %get3A_297 = arith.index_cast %add3A_270 : i32 to index
      %get3A_298 = arith.constant 48 : index
      %get3A_299 = tpu.vector_load %arg12[%get3A_297, %get3A_298] {strides = array<i32>} : memref<512x64xf32, #tpu.memory_space<vmem>>, vector<16xf32>,
      %mul3A_300 = arith.mulf %get3A_296, %get3A_299 : vector<16xf32>
      %add3A_301 = arith.addf %add3A_293, %mul3A_300 : vector<16xf32>
      %mul3A_302 = arith.constant 16 : i32
      %mul3A_303 = vector.broadcast %mul3A_302 : i32 to vector<16xi32>
      %mul3A_304 = arith.muli %iota3A, %mul3A_303 : vector<16xi32>
      %add3A_305 = arith.constant 2 : i32
      %add3A_306 = vector.broadcast %add3A_305 : i32 to vector<16xi32>
      %add3A_307 = arith.addi %mul3A_304, %add3A_306 : vector<16xi32>
      tpu.vector_store_idx %arg13[%add3A_307], %add3A_301 : memref<256xf32, #tpu.memory_space<vmem>>[vector<16xi32>], vector<16xf32>,
      %add3A_308 = arith.constant 3 : i32
      %add3A_309 = arith.addi %mul3A_191, %add3A_308 : i32
      %get3A_310 = arith.index_cast %add3A_309 : i32 to index
      %get3A_311 = arith.constant 0 : index
      %get3A_312 = tpu.vector_load %arg11[%get3A_310, %get3A_311] {strides = array<i32>} : memref<512x64xf32, #tpu.memory_space<vmem>>, vector<16xf32>,
      %get3A_313 = arith.index_cast %add3A_309 : i32 to index
      %get3A_314 = arith.constant 0 : index
      %get3A_315 = tpu.vector_load %arg12[%get3A_313, %get3A_314] {strides = array<i32>} : memref<512x64xf32, #tpu.memory_space<vmem>>, vector<16xf32>,
      %mul3A_316 = arith.mulf %get3A_312, %get3A_315 : vector<16xf32>
      %get3A_317 = arith.index_cast %add3A_309 : i32 to index
      %get3A_318 = arith.constant 16 : index
      %get3A_319 = tpu.vector_load %arg11[%get3A_317, %get3A_318] {strides = array<i32>} : memref<512x64xf32, #tpu.memory_space<vmem>>, vector<16xf32>,
      %get3A_320 = arith.index_cast %add3A_309 : i32 to index
      %get3A_321 = arith.constant 16 : index
      %get3A_322 = tpu.vector_load %arg12[%get3A_320, %get3A_321] {strides = array<i32>} : memref<512x64xf32, #tpu.memory_space<vmem>>, vector<16xf32>,
      %mul3A_323 = arith.mulf %get3A_319, %get3A_322 : vector<16xf32>
      %add3A_324 = arith.addf %mul3A_316, %mul3A_323 : vector<16xf32>
      %get3A_325 = arith.index_cast %add3A_309 : i32 to index
      %get3A_326 = arith.constant 32 : index
      %get3A_327 = tpu.vector_load %arg11[%get3A_325, %get3A_326] {strides = array<i32>} : memref<512x64xf32, #tpu.memory_space<vmem>>, vector<16xf32>,
      %get3A_328 = arith.index_cast %add3A_309 : i32 to index
      %get3A_329 = arith.constant 32 : index
      %get3A_330 = tpu.vector_load %arg12[%get3A_328, %get3A_329] {strides = array<i32>} : memref<512x64xf32, #tpu.memory_space<vmem>>, vector<16xf32>,
      %mul3A_331 = arith.mulf %get3A_327, %get3A_330 : vector<16xf32>
      %add3A_332 = arith.addf %add3A_324, %mul3A_331 : vector<16xf32>
      %get3A_333 = arith.index_cast %add3A_309 : i32 to index
      %get3A_334 = arith.constant 48 : index
      %get3A_335 = tpu.vector_load %arg11[%get3A_333, %get3A_334] {strides = array<i32>} : memref<512x64xf32, #tpu.memory_space<vmem>>, vector<16xf32>,
      %get3A_336 = arith.index_cast %add3A_309 : i32 to index
      %get3A_337 = arith.constant 48 : index
      %get3A_338 = tpu.vector_load %arg12[%get3A_336, %get3A_337] {strides = array<i32>} : memref<512x64xf32, #tpu.memory_space<vmem>>, vector<16xf32>,
      %mul3A_339 = arith.mulf %get3A_335, %get3A_338 : vector<16xf32>
      %add3A_340 = arith.addf %add3A_332, %mul3A_339 : vector<16xf32>
      %mul3A_341 = arith.constant 16 : i32
      %mul3A_342 = vector.broadcast %mul3A_341 : i32 to vector<16xi32>
      %mul3A_343 = arith.muli %iota3A, %mul3A_342 : vector<16xi32>
      %add3A_344 = arith.constant 3 : i32
      %add3A_345 = vector.broadcast %add3A_344 : i32 to vector<16xi32>
      %add3A_346 = arith.addi %mul3A_343, %add3A_345 : vector<16xi32>
      tpu.vector_store_idx %arg13[%add3A_346], %add3A_340 : memref<256xf32, #tpu.memory_space<vmem>>[vector<16xi32>], vector<16xf32>,
      %add3A_347 = arith.constant 4 : i32
      %add3A_348 = arith.addi %mul3A_191, %add3A_347 : i32
      %get3A_349 = arith.index_cast %add3A_348 : i32 to index
      %get3A_350 = arith.constant 0 : index
      %get3A_351 = tpu.vector_load %arg11[%get3A_349, %get3A_350] {strides = array<i32>} : memref<512x64xf32, #tpu.memory_space<vmem>>, vector<16xf32>,
      %get3A_352 = arith.index_cast %add3A_348 : i32 to index
      %get3A_353 = arith.constant 0 : index
      %get3A_354 = tpu.vector_load %arg12[%get3A_352, %get3A_353] {strides = array<i32>} : memref<512x64xf32, #tpu.memory_space<vmem>>, vector<16xf32>,
      %mul3A_355 = arith.mulf %get3A_351, %get3A_354 : vector<16xf32>
      %get3A_356 = arith.index_cast %add3A_348 : i32 to index
      %get3A_357 = arith.constant 16 : index
      %get3A_358 = tpu.vector_load %arg11[%get3A_356, %get3A_357] {strides = array<i32>} : memref<512x64xf32, #tpu.memory_space<vmem>>, vector<16xf32>,
      %get3A_359 = arith.index_cast %add3A_348 : i32 to index
      %get3A_360 = arith.constant 16 : index
      %get3A_361 = tpu.vector_load %arg12[%get3A_359, %get3A_360] {strides = array<i32>} : memref<512x64xf32, #tpu.memory_space<vmem>>, vector<16xf32>,
      %mul3A_362 = arith.mulf %get3A_358, %get3A_361 : vector<16xf32>
      %add3A_363 = arith.addf %mul3A_355, %mul3A_362 : vector<16xf32>
      %get3A_364 = arith.index_cast %add3A_348 : i32 to index
      %get3A_365 = arith.constant 32 : index
      %get3A_366 = tpu.vector_load %arg11[%get3A_364, %get3A_365] {strides = array<i32>} : memref<512x64xf32, #tpu.memory_space<vmem>>, vector<16xf32>,
      %get3A_367 = arith.index_cast %add3A_348 : i32 to index
      %get3A_368 = arith.constant 32 : index
      %get3A_369 = tpu.vector_load %arg12[%get3A_367, %get3A_368] {strides = array<i32>} : memref<512x64xf32, #tpu.memory_space<vmem>>, vector<16xf32>,
      %mul3A_370 = arith.mulf %get3A_366, %get3A_369 : vector<16xf32>
      %add3A_371 = arith.addf %add3A_363, %mul3A_370 : vector<16xf32>
      %get3A_372 = arith.index_cast %add3A_348 : i32 to index
      %get3A_373 = arith.constant 48 : index
      %get3A_374 = tpu.vector_load %arg11[%get3A_372, %get3A_373] {strides = array<i32>} : memref<512x64xf32, #tpu.memory_space<vmem>>, vector<16xf32>,
      %get3A_375 = arith.index_cast %add3A_348 : i32 to index
      %get3A_376 = arith.constant 48 : index
      %get3A_377 = tpu.vector_load %arg12[%get3A_375, %get3A_376] {strides = array<i32>} : memref<512x64xf32, #tpu.memory_space<vmem>>, vector<16xf32>,
      %mul3A_378 = arith.mulf %get3A_374, %get3A_377 : vector<16xf32>
      %add3A_379 = arith.addf %add3A_371, %mul3A_378 : vector<16xf32>
      %mul3A_380 = arith.constant 16 : i32
      %mul3A_381 = vector.broadcast %mul3A_380 : i32 to vector<16xi32>
      %mul3A_382 = arith.muli %iota3A, %mul3A_381 : vector<16xi32>
      %add3A_383 = arith.constant 4 : i32
      %add3A_384 = vector.broadcast %add3A_383 : i32 to vector<16xi32>
      %add3A_385 = arith.addi %mul3A_382, %add3A_384 : vector<16xi32>
      tpu.vector_store_idx %arg13[%add3A_385], %add3A_379 : memref<256xf32, #tpu.memory_space<vmem>>[vector<16xi32>], vector<16xf32>,
      %add3A_386 = arith.constant 5 : i32
      %add3A_387 = arith.addi %mul3A_191, %add3A_386 : i32
      %get3A_388 = arith.index_cast %add3A_387 : i32 to index
      %get3A_389 = arith.constant 0 : index
      %get3A_390 = tpu.vector_load %arg11[%get3A_388, %get3A_389] {strides = array<i32>} : memref<512x64xf32, #tpu.memory_space<vmem>>, vector<16xf32>,
      %get3A_391 = arith.index_cast %add3A_387 : i32 to index
      %get3A_392 = arith.constant 0 : index
      %get3A_393 = tpu.vector_load %arg12[%get3A_391, %get3A_392] {strides = array<i32>} : memref<512x64xf32, #tpu.memory_space<vmem>>, vector<16xf32>,
      %mul3A_394 = arith.mulf %get3A_390, %get3A_393 : vector<16xf32>
      %get3A_395 = arith.index_cast %add3A_387 : i32 to index
      %get3A_396 = arith.constant 16 : index
      %get3A_397 = tpu.vector_load %arg11[%get3A_395, %get3A_396] {strides = array<i32>} : memref<512x64xf32, #tpu.memory_space<vmem>>, vector<16xf32>,
      %get3A_398 = arith.index_cast %add3A_387 : i32 to index
      %get3A_399 = arith.constant 16 : index
      %get3A_400 = tpu.vector_load %arg12[%get3A_398, %get3A_399] {strides = array<i32>} : memref<512x64xf32, #tpu.memory_space<vmem>>, vector<16xf32>,
      %mul3A_401 = arith.mulf %get3A_397, %get3A_400 : vector<16xf32>
      %add3A_402 = arith.addf %mul3A_394, %mul3A_401 : vector<16xf32>
      %get3A_403 = arith.index_cast %add3A_387 : i32 to index
      %get3A_404 = arith.constant 32 : index
      %get3A_405 = tpu.vector_load %arg11[%get3A_403, %get3A_404] {strides = array<i32>} : memref<512x64xf32, #tpu.memory_space<vmem>>, vector<16xf32>,
      %get3A_406 = arith.index_cast %add3A_387 : i32 to index
      %get3A_407 = arith.constant 32 : index
      %get3A_408 = tpu.vector_load %arg12[%get3A_406, %get3A_407] {strides = array<i32>} : memref<512x64xf32, #tpu.memory_space<vmem>>, vector<16xf32>,
      %mul3A_409 = arith.mulf %get3A_405, %get3A_408 : vector<16xf32>
      %add3A_410 = arith.addf %add3A_402, %mul3A_409 : vector<16xf32>
      %get3A_411 = arith.index_cast %add3A_387 : i32 to index
      %get3A_412 = arith.constant 48 : index
      %get3A_413 = tpu.vector_load %arg11[%get3A_411, %get3A_412] {strides = array<i32>} : memref<512x64xf32, #tpu.memory_space<vmem>>, vector<16xf32>,
      %get3A_414 = arith.index_cast %add3A_387 : i32 to index
      %get3A_415 = arith.constant 48 : index
      %get3A_416 = tpu.vector_load %arg12[%get3A_414, %get3A_415] {strides = array<i32>} : memref<512x64xf32, #tpu.memory_space<vmem>>, vector<16xf32>,
      %mul3A_417 = arith.mulf %get3A_413, %get3A_416 : vector<16xf32>
      %add3A_418 = arith.addf %add3A_410, %mul3A_417 : vector<16xf32>
      %mul3A_419 = arith.constant 16 : i32
      %mul3A_420 = vector.broadcast %mul3A_419 : i32 to vector<16xi32>
      %mul3A_421 = arith.muli %iota3A, %mul3A_420 : vector<16xi32>
      %add3A_422 = arith.constant 5 : i32
      %add3A_423 = vector.broadcast %add3A_422 : i32 to vector<16xi32>
      %add3A_424 = arith.addi %mul3A_421, %add3A_423 : vector<16xi32>
      tpu.vector_store_idx %arg13[%add3A_424], %add3A_418 : memref<256xf32, #tpu.memory_space<vmem>>[vector<16xi32>], vector<16xf32>,
      %add3A_425 = arith.constant 6 : i32
      %add3A_426 = arith.addi %mul3A_191, %add3A_425 : i32
      %get3A_427 = arith.index_cast %add3A_426 : i32 to index
      %get3A_428 = arith.constant 0 : index
      %get3A_429 = tpu.vector_load %arg11[%get3A_427, %get3A_428] {strides = array<i32>} : memref<512x64xf32, #tpu.memory_space<vmem>>, vector<16xf32>,
      %get3A_430 = arith.index_cast %add3A_426 : i32 to index
      %get3A_431 = arith.constant 0 : index
      %get3A_432 = tpu.vector_load %arg12[%get3A_430, %get3A_431] {strides = array<i32>} : memref<512x64xf32, #tpu.memory_space<vmem>>, vector<16xf32>,
      %mul3A_433 = arith.mulf %get3A_429, %get3A_432 : vector<16xf32>
      %get3A_434 = arith.index_cast %add3A_426 : i32 to index
      %get3A_435 = arith.constant 16 : index
      %get3A_436 = tpu.vector_load %arg11[%get3A_434, %get3A_435] {strides = array<i32>} : memref<512x64xf32, #tpu.memory_space<vmem>>, vector<16xf32>,
      %get3A_437 = arith.index_cast %add3A_426 : i32 to index
      %get3A_438 = arith.constant 16 : index
      %get3A_439 = tpu.vector_load %arg12[%get3A_437, %get3A_438] {strides = array<i32>} : memref<512x64xf32, #tpu.memory_space<vmem>>, vector<16xf32>,
      %mul3A_440 = arith.mulf %get3A_436, %get3A_439 : vector<16xf32>
      %add3A_441 = arith.addf %mul3A_433, %mul3A_440 : vector<16xf32>
      %get3A_442 = arith.index_cast %add3A_426 : i32 to index
      %get3A_443 = arith.constant 32 : index
      %get3A_444 = tpu.vector_load %arg11[%get3A_442, %get3A_443] {strides = array<i32>} : memref<512x64xf32, #tpu.memory_space<vmem>>, vector<16xf32>,
      %get3A_445 = arith.index_cast %add3A_426 : i32 to index
      %get3A_446 = arith.constant 32 : index
      %get3A_447 = tpu.vector_load %arg12[%get3A_445, %get3A_446] {strides = array<i32>} : memref<512x64xf32, #tpu.memory_space<vmem>>, vector<16xf32>,
      %mul3A_448 = arith.mulf %get3A_444, %get3A_447 : vector<16xf32>
      %add3A_449 = arith.addf %add3A_441, %mul3A_448 : vector<16xf32>
      %get3A_450 = arith.index_cast %add3A_426 : i32 to index
      %get3A_451 = arith.constant 48 : index
      %get3A_452 = tpu.vector_load %arg11[%get3A_450, %get3A_451] {strides = array<i32>} : memref<512x64xf32, #tpu.memory_space<vmem>>, vector<16xf32>,
      %get3A_453 = arith.index_cast %add3A_426 : i32 to index
      %get3A_454 = arith.constant 48 : index
      %get3A_455 = tpu.vector_load %arg12[%get3A_453, %get3A_454] {strides = array<i32>} : memref<512x64xf32, #tpu.memory_space<vmem>>, vector<16xf32>,
      %mul3A_456 = arith.mulf %get3A_452, %get3A_455 : vector<16xf32>
      %add3A_457 = arith.addf %add3A_449, %mul3A_456 : vector<16xf32>
      %mul3A_458 = arith.constant 16 : i32
      %mul3A_459 = vector.broadcast %mul3A_458 : i32 to vector<16xi32>
      %mul3A_460 = arith.muli %iota3A, %mul3A_459 : vector<16xi32>
      %add3A_461 = arith.constant 6 : i32
      %add3A_462 = vector.broadcast %add3A_461 : i32 to vector<16xi32>
      %add3A_463 = arith.addi %mul3A_460, %add3A_462 : vector<16xi32>
      tpu.vector_store_idx %arg13[%add3A_463], %add3A_457 : memref<256xf32, #tpu.memory_space<vmem>>[vector<16xi32>], vector<16xf32>,
      %add3A_464 = arith.constant 7 : i32
      %add3A_465 = arith.addi %mul3A_191, %add3A_464 : i32
      %get3A_466 = arith.index_cast %add3A_465 : i32 to index
      %get3A_467 = arith.constant 0 : index
      %get3A_468 = tpu.vector_load %arg11[%get3A_466, %get3A_467] {strides = array<i32>} : memref<512x64xf32, #tpu.memory_space<vmem>>, vector<16xf32>,
      %get3A_469 = arith.index_cast %add3A_465 : i32 to index
      %get3A_470 = arith.constant 0 : index
      %get3A_471 = tpu.vector_load %arg12[%get3A_469, %get3A_470] {strides = array<i32>} : memref<512x64xf32, #tpu.memory_space<vmem>>, vector<16xf32>,
      %mul3A_472 = arith.mulf %get3A_468, %get3A_471 : vector<16xf32>
      %get3A_473 = arith.index_cast %add3A_465 : i32 to index
      %get3A_474 = arith.constant 16 : index
      %get3A_475 = tpu.vector_load %arg11[%get3A_473, %get3A_474] {strides = array<i32>} : memref<512x64xf32, #tpu.memory_space<vmem>>, vector<16xf32>,
      %get3A_476 = arith.index_cast %add3A_465 : i32 to index
      %get3A_477 = arith.constant 16 : index
      %get3A_478 = tpu.vector_load %arg12[%get3A_476, %get3A_477] {strides = array<i32>} : memref<512x64xf32, #tpu.memory_space<vmem>>, vector<16xf32>,
      %mul3A_479 = arith.mulf %get3A_475, %get3A_478 : vector<16xf32>
      %add3A_480 = arith.addf %mul3A_472, %mul3A_479 : vector<16xf32>
      %get3A_481 = arith.index_cast %add3A_465 : i32 to index
      %get3A_482 = arith.constant 32 : index
      %get3A_483 = tpu.vector_load %arg11[%get3A_481, %get3A_482] {strides = array<i32>} : memref<512x64xf32, #tpu.memory_space<vmem>>, vector<16xf32>,
      %get3A_484 = arith.index_cast %add3A_465 : i32 to index
      %get3A_485 = arith.constant 32 : index
      %get3A_486 = tpu.vector_load %arg12[%get3A_484, %get3A_485] {strides = array<i32>} : memref<512x64xf32, #tpu.memory_space<vmem>>, vector<16xf32>,
      %mul3A_487 = arith.mulf %get3A_483, %get3A_486 : vector<16xf32>
      %add3A_488 = arith.addf %add3A_480, %mul3A_487 : vector<16xf32>
      %get3A_489 = arith.index_cast %add3A_465 : i32 to index
      %get3A_490 = arith.constant 48 : index
      %get3A_491 = tpu.vector_load %arg11[%get3A_489, %get3A_490] {strides = array<i32>} : memref<512x64xf32, #tpu.memory_space<vmem>>, vector<16xf32>,
      %get3A_492 = arith.index_cast %add3A_465 : i32 to index
      %get3A_493 = arith.constant 48 : index
      %get3A_494 = tpu.vector_load %arg12[%get3A_492, %get3A_493] {strides = array<i32>} : memref<512x64xf32, #tpu.memory_space<vmem>>, vector<16xf32>,
      %mul3A_495 = arith.mulf %get3A_491, %get3A_494 : vector<16xf32>
      %add3A_496 = arith.addf %add3A_488, %mul3A_495 : vector<16xf32>
      %mul3A_497 = arith.constant 16 : i32
      %mul3A_498 = vector.broadcast %mul3A_497 : i32 to vector<16xi32>
      %mul3A_499 = arith.muli %iota3A, %mul3A_498 : vector<16xi32>
      %add3A_500 = arith.constant 7 : i32
      %add3A_501 = vector.broadcast %add3A_500 : i32 to vector<16xi32>
      %add3A_502 = arith.addi %mul3A_499, %add3A_501 : vector<16xi32>
      tpu.vector_store_idx %arg13[%add3A_502], %add3A_496 : memref<256xf32, #tpu.memory_space<vmem>>[vector<16xi32>], vector<16xf32>,
      %add3A_503 = arith.constant 8 : i32
      %add3A_504 = arith.addi %mul3A_191, %add3A_503 : i32
      %get3A_505 = arith.index_cast %add3A_504 : i32 to index
      %get3A_506 = arith.constant 0 : index
      %get3A_507 = tpu.vector_load %arg11[%get3A_505, %get3A_506] {strides = array<i32>} : memref<512x64xf32, #tpu.memory_space<vmem>>, vector<16xf32>,
      %get3A_508 = arith.index_cast %add3A_504 : i32 to index
      %get3A_509 = arith.constant 0 : index
      %get3A_510 = tpu.vector_load %arg12[%get3A_508, %get3A_509] {strides = array<i32>} : memref<512x64xf32, #tpu.memory_space<vmem>>, vector<16xf32>,
      %mul3A_511 = arith.mulf %get3A_507, %get3A_510 : vector<16xf32>
      %get3A_512 = arith.index_cast %add3A_504 : i32 to index
      %get3A_513 = arith.constant 16 : index
      %get3A_514 = tpu.vector_load %arg11[%get3A_512, %get3A_513] {strides = array<i32>} : memref<512x64xf32, #tpu.memory_space<vmem>>, vector<16xf32>,
      %get3A_515 = arith.index_cast %add3A_504 : i32 to index
      %get3A_516 = arith.constant 16 : index
      %get3A_517 = tpu.vector_load %arg12[%get3A_515, %get3A_516] {strides = array<i32>} : memref<512x64xf32, #tpu.memory_space<vmem>>, vector<16xf32>,
      %mul3A_518 = arith.mulf %get3A_514, %get3A_517 : vector<16xf32>
      %add3A_519 = arith.addf %mul3A_511, %mul3A_518 : vector<16xf32>
      %get3A_520 = arith.index_cast %add3A_504 : i32 to index
      %get3A_521 = arith.constant 32 : index
      %get3A_522 = tpu.vector_load %arg11[%get3A_520, %get3A_521] {strides = array<i32>} : memref<512x64xf32, #tpu.memory_space<vmem>>, vector<16xf32>,
      %get3A_523 = arith.index_cast %add3A_504 : i32 to index
      %get3A_524 = arith.constant 32 : index
      %get3A_525 = tpu.vector_load %arg12[%get3A_523, %get3A_524] {strides = array<i32>} : memref<512x64xf32, #tpu.memory_space<vmem>>, vector<16xf32>,
      %mul3A_526 = arith.mulf %get3A_522, %get3A_525 : vector<16xf32>
      %add3A_527 = arith.addf %add3A_519, %mul3A_526 : vector<16xf32>
      %get3A_528 = arith.index_cast %add3A_504 : i32 to index
      %get3A_529 = arith.constant 48 : index
      %get3A_530 = tpu.vector_load %arg11[%get3A_528, %get3A_529] {strides = array<i32>} : memref<512x64xf32, #tpu.memory_space<vmem>>, vector<16xf32>,
      %get3A_531 = arith.index_cast %add3A_504 : i32 to index
      %get3A_532 = arith.constant 48 : index
      %get3A_533 = tpu.vector_load %arg12[%get3A_531, %get3A_532] {strides = array<i32>} : memref<512x64xf32, #tpu.memory_space<vmem>>, vector<16xf32>,
      %mul3A_534 = arith.mulf %get3A_530, %get3A_533 : vector<16xf32>
      %add3A_535 = arith.addf %add3A_527, %mul3A_534 : vector<16xf32>
      %mul3A_536 = arith.constant 16 : i32
      %mul3A_537 = vector.broadcast %mul3A_536 : i32 to vector<16xi32>
      %mul3A_538 = arith.muli %iota3A, %mul3A_537 : vector<16xi32>
      %add3A_539 = arith.constant 8 : i32
      %add3A_540 = vector.broadcast %add3A_539 : i32 to vector<16xi32>
      %add3A_541 = arith.addi %mul3A_538, %add3A_540 : vector<16xi32>
      tpu.vector_store_idx %arg13[%add3A_541], %add3A_535 : memref<256xf32, #tpu.memory_space<vmem>>[vector<16xi32>], vector<16xf32>,
      %add3A_542 = arith.constant 9 : i32
      %add3A_543 = arith.addi %mul3A_191, %add3A_542 : i32
      %get3A_544 = arith.index_cast %add3A_543 : i32 to index
      %get3A_545 = arith.constant 0 : index
      %get3A_546 = tpu.vector_load %arg11[%get3A_544, %get3A_545] {strides = array<i32>} : memref<512x64xf32, #tpu.memory_space<vmem>>, vector<16xf32>,
      %get3A_547 = arith.index_cast %add3A_543 : i32 to index
      %get3A_548 = arith.constant 0 : index
      %get3A_549 = tpu.vector_load %arg12[%get3A_547, %get3A_548] {strides = array<i32>} : memref<512x64xf32, #tpu.memory_space<vmem>>, vector<16xf32>,
      %mul3A_550 = arith.mulf %get3A_546, %get3A_549 : vector<16xf32>
      %get3A_551 = arith.index_cast %add3A_543 : i32 to index
      %get3A_552 = arith.constant 16 : index
      %get3A_553 = tpu.vector_load %arg11[%get3A_551, %get3A_552] {strides = array<i32>} : memref<512x64xf32, #tpu.memory_space<vmem>>, vector<16xf32>,
      %get3A_554 = arith.index_cast %add3A_543 : i32 to index
      %get3A_555 = arith.constant 16 : index
      %get3A_556 = tpu.vector_load %arg12[%get3A_554, %get3A_555] {strides = array<i32>} : memref<512x64xf32, #tpu.memory_space<vmem>>, vector<16xf32>,
      %mul3A_557 = arith.mulf %get3A_553, %get3A_556 : vector<16xf32>
      %add3A_558 = arith.addf %mul3A_550, %mul3A_557 : vector<16xf32>
      %get3A_559 = arith.index_cast %add3A_543 : i32 to index
      %get3A_560 = arith.constant 32 : index
      %get3A_561 = tpu.vector_load %arg11[%get3A_559, %get3A_560] {strides = array<i32>} : memref<512x64xf32, #tpu.memory_space<vmem>>, vector<16xf32>,
      %get3A_562 = arith.index_cast %add3A_543 : i32 to index
      %get3A_563 = arith.constant 32 : index
      %get3A_564 = tpu.vector_load %arg12[%get3A_562, %get3A_563] {strides = array<i32>} : memref<512x64xf32, #tpu.memory_space<vmem>>, vector<16xf32>,
      %mul3A_565 = arith.mulf %get3A_561, %get3A_564 : vector<16xf32>
      %add3A_566 = arith.addf %add3A_558, %mul3A_565 : vector<16xf32>
      %get3A_567 = arith.index_cast %add3A_543 : i32 to index
      %get3A_568 = arith.constant 48 : index
      %get3A_569 = tpu.vector_load %arg11[%get3A_567, %get3A_568] {strides = array<i32>} : memref<512x64xf32, #tpu.memory_space<vmem>>, vector<16xf32>,
      %get3A_570 = arith.index_cast %add3A_543 : i32 to index
      %get3A_571 = arith.constant 48 : index
      %get3A_572 = tpu.vector_load %arg12[%get3A_570, %get3A_571] {strides = array<i32>} : memref<512x64xf32, #tpu.memory_space<vmem>>, vector<16xf32>,
      %mul3A_573 = arith.mulf %get3A_569, %get3A_572 : vector<16xf32>
      %add3A_574 = arith.addf %add3A_566, %mul3A_573 : vector<16xf32>
      %mul3A_575 = arith.constant 16 : i32
      %mul3A_576 = vector.broadcast %mul3A_575 : i32 to vector<16xi32>
      %mul3A_577 = arith.muli %iota3A, %mul3A_576 : vector<16xi32>
      %add3A_578 = arith.constant 9 : i32
      %add3A_579 = vector.broadcast %add3A_578 : i32 to vector<16xi32>
      %add3A_580 = arith.addi %mul3A_577, %add3A_579 : vector<16xi32>
      tpu.vector_store_idx %arg13[%add3A_580], %add3A_574 : memref<256xf32, #tpu.memory_space<vmem>>[vector<16xi32>], vector<16xf32>,
      %add3A_581 = arith.constant 10 : i32
      %add3A_582 = arith.addi %mul3A_191, %add3A_581 : i32
      %get3A_583 = arith.index_cast %add3A_582 : i32 to index
      %get3A_584 = arith.constant 0 : index
      %get3A_585 = tpu.vector_load %arg11[%get3A_583, %get3A_584] {strides = array<i32>} : memref<512x64xf32, #tpu.memory_space<vmem>>, vector<16xf32>,
      %get3A_586 = arith.index_cast %add3A_582 : i32 to index
      %get3A_587 = arith.constant 0 : index
      %get3A_588 = tpu.vector_load %arg12[%get3A_586, %get3A_587] {strides = array<i32>} : memref<512x64xf32, #tpu.memory_space<vmem>>, vector<16xf32>,
      %mul3A_589 = arith.mulf %get3A_585, %get3A_588 : vector<16xf32>
      %get3A_590 = arith.index_cast %add3A_582 : i32 to index
      %get3A_591 = arith.constant 16 : index
      %get3A_592 = tpu.vector_load %arg11[%get3A_590, %get3A_591] {strides = array<i32>} : memref<512x64xf32, #tpu.memory_space<vmem>>, vector<16xf32>,
      %get3A_593 = arith.index_cast %add3A_582 : i32 to index
      %get3A_594 = arith.constant 16 : index
      %get3A_595 = tpu.vector_load %arg12[%get3A_593, %get3A_594] {strides = array<i32>} : memref<512x64xf32, #tpu.memory_space<vmem>>, vector<16xf32>,
      %mul3A_596 = arith.mulf %get3A_592, %get3A_595 : vector<16xf32>
      %add3A_597 = arith.addf %mul3A_589, %mul3A_596 : vector<16xf32>
      %get3A_598 = arith.index_cast %add3A_582 : i32 to index
      %get3A_599 = arith.constant 32 : index
      %get3A_600 = tpu.vector_load %arg11[%get3A_598, %get3A_599] {strides = array<i32>} : memref<512x64xf32, #tpu.memory_space<vmem>>, vector<16xf32>,
      %get3A_601 = arith.index_cast %add3A_582 : i32 to index
      %get3A_602 = arith.constant 32 : index
      %get3A_603 = tpu.vector_load %arg12[%get3A_601, %get3A_602] {strides = array<i32>} : memref<512x64xf32, #tpu.memory_space<vmem>>, vector<16xf32>,
      %mul3A_604 = arith.mulf %get3A_600, %get3A_603 : vector<16xf32>
      %add3A_605 = arith.addf %add3A_597, %mul3A_604 : vector<16xf32>
      %get3A_606 = arith.index_cast %add3A_582 : i32 to index
      %get3A_607 = arith.constant 48 : index
      %get3A_608 = tpu.vector_load %arg11[%get3A_606, %get3A_607] {strides = array<i32>} : memref<512x64xf32, #tpu.memory_space<vmem>>, vector<16xf32>,
      %get3A_609 = arith.index_cast %add3A_582 : i32 to index
      %get3A_610 = arith.constant 48 : index
      %get3A_611 = tpu.vector_load %arg12[%get3A_609, %get3A_610] {strides = array<i32>} : memref<512x64xf32, #tpu.memory_space<vmem>>, vector<16xf32>,
      %mul3A_612 = arith.mulf %get3A_608, %get3A_611 : vector<16xf32>
      %add3A_613 = arith.addf %add3A_605, %mul3A_612 : vector<16xf32>
      %mul3A_614 = arith.constant 16 : i32
      %mul3A_615 = vector.broadcast %mul3A_614 : i32 to vector<16xi32>
      %mul3A_616 = arith.muli %iota3A, %mul3A_615 : vector<16xi32>
      %add3A_617 = arith.constant 10 : i32
      %add3A_618 = vector.broadcast %add3A_617 : i32 to vector<16xi32>
      %add3A_619 = arith.addi %mul3A_616, %add3A_618 : vector<16xi32>
      tpu.vector_store_idx %arg13[%add3A_619], %add3A_613 : memref<256xf32, #tpu.memory_space<vmem>>[vector<16xi32>], vector<16xf32>,
      %add3A_620 = arith.constant 11 : i32
      %add3A_621 = arith.addi %mul3A_191, %add3A_620 : i32
      %get3A_622 = arith.index_cast %add3A_621 : i32 to index
      %get3A_623 = arith.constant 0 : index
      %get3A_624 = tpu.vector_load %arg11[%get3A_622, %get3A_623] {strides = array<i32>} : memref<512x64xf32, #tpu.memory_space<vmem>>, vector<16xf32>,
      %get3A_625 = arith.index_cast %add3A_621 : i32 to index
      %get3A_626 = arith.constant 0 : index
      %get3A_627 = tpu.vector_load %arg12[%get3A_625, %get3A_626] {strides = array<i32>} : memref<512x64xf32, #tpu.memory_space<vmem>>, vector<16xf32>,
      %mul3A_628 = arith.mulf %get3A_624, %get3A_627 : vector<16xf32>
      %get3A_629 = arith.index_cast %add3A_621 : i32 to index
      %get3A_630 = arith.constant 16 : index
      %get3A_631 = tpu.vector_load %arg11[%get3A_629, %get3A_630] {strides = array<i32>} : memref<512x64xf32, #tpu.memory_space<vmem>>, vector<16xf32>,
      %get3A_632 = arith.index_cast %add3A_621 : i32 to index
      %get3A_633 = arith.constant 16 : index
      %get3A_634 = tpu.vector_load %arg12[%get3A_632, %get3A_633] {strides = array<i32>} : memref<512x64xf32, #tpu.memory_space<vmem>>, vector<16xf32>,
      %mul3A_635 = arith.mulf %get3A_631, %get3A_634 : vector<16xf32>
      %add3A_636 = arith.addf %mul3A_628, %mul3A_635 : vector<16xf32>
      %get3A_637 = arith.index_cast %add3A_621 : i32 to index
      %get3A_638 = arith.constant 32 : index
      %get3A_639 = tpu.vector_load %arg11[%get3A_637, %get3A_638] {strides = array<i32>} : memref<512x64xf32, #tpu.memory_space<vmem>>, vector<16xf32>,
      %get3A_640 = arith.index_cast %add3A_621 : i32 to index
      %get3A_641 = arith.constant 32 : index
      %get3A_642 = tpu.vector_load %arg12[%get3A_640, %get3A_641] {strides = array<i32>} : memref<512x64xf32, #tpu.memory_space<vmem>>, vector<16xf32>,
      %mul3A_643 = arith.mulf %get3A_639, %get3A_642 : vector<16xf32>
      %add3A_644 = arith.addf %add3A_636, %mul3A_643 : vector<16xf32>
      %get3A_645 = arith.index_cast %add3A_621 : i32 to index
      %get3A_646 = arith.constant 48 : index
      %get3A_647 = tpu.vector_load %arg11[%get3A_645, %get3A_646] {strides = array<i32>} : memref<512x64xf32, #tpu.memory_space<vmem>>, vector<16xf32>,
      %get3A_648 = arith.index_cast %add3A_621 : i32 to index
      %get3A_649 = arith.constant 48 : index
      %get3A_650 = tpu.vector_load %arg12[%get3A_648, %get3A_649] {strides = array<i32>} : memref<512x64xf32, #tpu.memory_space<vmem>>, vector<16xf32>,
      %mul3A_651 = arith.mulf %get3A_647, %get3A_650 : vector<16xf32>
      %add3A_652 = arith.addf %add3A_644, %mul3A_651 : vector<16xf32>
      %mul3A_653 = arith.constant 16 : i32
      %mul3A_654 = vector.broadcast %mul3A_653 : i32 to vector<16xi32>
      %mul3A_655 = arith.muli %iota3A, %mul3A_654 : vector<16xi32>
      %add3A_656 = arith.constant 11 : i32
      %add3A_657 = vector.broadcast %add3A_656 : i32 to vector<16xi32>
      %add3A_658 = arith.addi %mul3A_655, %add3A_657 : vector<16xi32>
      tpu.vector_store_idx %arg13[%add3A_658], %add3A_652 : memref<256xf32, #tpu.memory_space<vmem>>[vector<16xi32>], vector<16xf32>,
      %add3A_659 = arith.constant 12 : i32
      %add3A_660 = arith.addi %mul3A_191, %add3A_659 : i32
      %get3A_661 = arith.index_cast %add3A_660 : i32 to index
      %get3A_662 = arith.constant 0 : index
      %get3A_663 = tpu.vector_load %arg11[%get3A_661, %get3A_662] {strides = array<i32>} : memref<512x64xf32, #tpu.memory_space<vmem>>, vector<16xf32>,
      %get3A_664 = arith.index_cast %add3A_660 : i32 to index
      %get3A_665 = arith.constant 0 : index
      %get3A_666 = tpu.vector_load %arg12[%get3A_664, %get3A_665] {strides = array<i32>} : memref<512x64xf32, #tpu.memory_space<vmem>>, vector<16xf32>,
      %mul3A_667 = arith.mulf %get3A_663, %get3A_666 : vector<16xf32>
      %get3A_668 = arith.index_cast %add3A_660 : i32 to index
      %get3A_669 = arith.constant 16 : index
      %get3A_670 = tpu.vector_load %arg11[%get3A_668, %get3A_669] {strides = array<i32>} : memref<512x64xf32, #tpu.memory_space<vmem>>, vector<16xf32>,
      %get3A_671 = arith.index_cast %add3A_660 : i32 to index
      %get3A_672 = arith.constant 16 : index
      %get3A_673 = tpu.vector_load %arg12[%get3A_671, %get3A_672] {strides = array<i32>} : memref<512x64xf32, #tpu.memory_space<vmem>>, vector<16xf32>,
      %mul3A_674 = arith.mulf %get3A_670, %get3A_673 : vector<16xf32>
      %add3A_675 = arith.addf %mul3A_667, %mul3A_674 : vector<16xf32>
      %get3A_676 = arith.index_cast %add3A_660 : i32 to index
      %get3A_677 = arith.constant 32 : index
      %get3A_678 = tpu.vector_load %arg11[%get3A_676, %get3A_677] {strides = array<i32>} : memref<512x64xf32, #tpu.memory_space<vmem>>, vector<16xf32>,
      %get3A_679 = arith.index_cast %add3A_660 : i32 to index
      %get3A_680 = arith.constant 32 : index
      %get3A_681 = tpu.vector_load %arg12[%get3A_679, %get3A_680] {strides = array<i32>} : memref<512x64xf32, #tpu.memory_space<vmem>>, vector<16xf32>,
      %mul3A_682 = arith.mulf %get3A_678, %get3A_681 : vector<16xf32>
      %add3A_683 = arith.addf %add3A_675, %mul3A_682 : vector<16xf32>
      %get3A_684 = arith.index_cast %add3A_660 : i32 to index
      %get3A_685 = arith.constant 48 : index
      %get3A_686 = tpu.vector_load %arg11[%get3A_684, %get3A_685] {strides = array<i32>} : memref<512x64xf32, #tpu.memory_space<vmem>>, vector<16xf32>,
      %get3A_687 = arith.index_cast %add3A_660 : i32 to index
      %get3A_688 = arith.constant 48 : index
      %get3A_689 = tpu.vector_load %arg12[%get3A_687, %get3A_688] {strides = array<i32>} : memref<512x64xf32, #tpu.memory_space<vmem>>, vector<16xf32>,
      %mul3A_690 = arith.mulf %get3A_686, %get3A_689 : vector<16xf32>
      %add3A_691 = arith.addf %add3A_683, %mul3A_690 : vector<16xf32>
      %mul3A_692 = arith.constant 16 : i32
      %mul3A_693 = vector.broadcast %mul3A_692 : i32 to vector<16xi32>
      %mul3A_694 = arith.muli %iota3A, %mul3A_693 : vector<16xi32>
      %add3A_695 = arith.constant 12 : i32
      %add3A_696 = vector.broadcast %add3A_695 : i32 to vector<16xi32>
      %add3A_697 = arith.addi %mul3A_694, %add3A_696 : vector<16xi32>
      tpu.vector_store_idx %arg13[%add3A_697], %add3A_691 : memref<256xf32, #tpu.memory_space<vmem>>[vector<16xi32>], vector<16xf32>,
      %add3A_698 = arith.constant 13 : i32
      %add3A_699 = arith.addi %mul3A_191, %add3A_698 : i32
      %get3A_700 = arith.index_cast %add3A_699 : i32 to index
      %get3A_701 = arith.constant 0 : index
      %get3A_702 = tpu.vector_load %arg11[%get3A_700, %get3A_701] {strides = array<i32>} : memref<512x64xf32, #tpu.memory_space<vmem>>, vector<16xf32>,
      %get3A_703 = arith.index_cast %add3A_699 : i32 to index
      %get3A_704 = arith.constant 0 : index
      %get3A_705 = tpu.vector_load %arg12[%get3A_703, %get3A_704] {strides = array<i32>} : memref<512x64xf32, #tpu.memory_space<vmem>>, vector<16xf32>,
      %mul3A_706 = arith.mulf %get3A_702, %get3A_705 : vector<16xf32>
      %get3A_707 = arith.index_cast %add3A_699 : i32 to index
      %get3A_708 = arith.constant 16 : index
      %get3A_709 = tpu.vector_load %arg11[%get3A_707, %get3A_708] {strides = array<i32>} : memref<512x64xf32, #tpu.memory_space<vmem>>, vector<16xf32>,
      %get3A_710 = arith.index_cast %add3A_699 : i32 to index
      %get3A_711 = arith.constant 16 : index
      %get3A_712 = tpu.vector_load %arg12[%get3A_710, %get3A_711] {strides = array<i32>} : memref<512x64xf32, #tpu.memory_space<vmem>>, vector<16xf32>,
      %mul3A_713 = arith.mulf %get3A_709, %get3A_712 : vector<16xf32>
      %add3A_714 = arith.addf %mul3A_706, %mul3A_713 : vector<16xf32>
      %get3A_715 = arith.index_cast %add3A_699 : i32 to index
      %get3A_716 = arith.constant 32 : index
      %get3A_717 = tpu.vector_load %arg11[%get3A_715, %get3A_716] {strides = array<i32>} : memref<512x64xf32, #tpu.memory_space<vmem>>, vector<16xf32>,
      %get3A_718 = arith.index_cast %add3A_699 : i32 to index
      %get3A_719 = arith.constant 32 : index
      %get3A_720 = tpu.vector_load %arg12[%get3A_718, %get3A_719] {strides = array<i32>} : memref<512x64xf32, #tpu.memory_space<vmem>>, vector<16xf32>,
      %mul3A_721 = arith.mulf %get3A_717, %get3A_720 : vector<16xf32>
      %add3A_722 = arith.addf %add3A_714, %mul3A_721 : vector<16xf32>
      %get3A_723 = arith.index_cast %add3A_699 : i32 to index
      %get3A_724 = arith.constant 48 : index
      %get3A_725 = tpu.vector_load %arg11[%get3A_723, %get3A_724] {strides = array<i32>} : memref<512x64xf32, #tpu.memory_space<vmem>>, vector<16xf32>,
      %get3A_726 = arith.index_cast %add3A_699 : i32 to index
      %get3A_727 = arith.constant 48 : index
      %get3A_728 = tpu.vector_load %arg12[%get3A_726, %get3A_727] {strides = array<i32>} : memref<512x64xf32, #tpu.memory_space<vmem>>, vector<16xf32>,
      %mul3A_729 = arith.mulf %get3A_725, %get3A_728 : vector<16xf32>
      %add3A_730 = arith.addf %add3A_722, %mul3A_729 : vector<16xf32>
      %mul3A_731 = arith.constant 16 : i32
      %mul3A_732 = vector.broadcast %mul3A_731 : i32 to vector<16xi32>
      %mul3A_733 = arith.muli %iota3A, %mul3A_732 : vector<16xi32>
      %add3A_734 = arith.constant 13 : i32
      %add3A_735 = vector.broadcast %add3A_734 : i32 to vector<16xi32>
      %add3A_736 = arith.addi %mul3A_733, %add3A_735 : vector<16xi32>
      tpu.vector_store_idx %arg13[%add3A_736], %add3A_730 : memref<256xf32, #tpu.memory_space<vmem>>[vector<16xi32>], vector<16xf32>,
      %add3A_737 = arith.constant 14 : i32
      %add3A_738 = arith.addi %mul3A_191, %add3A_737 : i32
      %get3A_739 = arith.index_cast %add3A_738 : i32 to index
      %get3A_740 = arith.constant 0 : index
      %get3A_741 = tpu.vector_load %arg11[%get3A_739, %get3A_740] {strides = array<i32>} : memref<512x64xf32, #tpu.memory_space<vmem>>, vector<16xf32>,
      %get3A_742 = arith.index_cast %add3A_738 : i32 to index
      %get3A_743 = arith.constant 0 : index
      %get3A_744 = tpu.vector_load %arg12[%get3A_742, %get3A_743] {strides = array<i32>} : memref<512x64xf32, #tpu.memory_space<vmem>>, vector<16xf32>,
      %mul3A_745 = arith.mulf %get3A_741, %get3A_744 : vector<16xf32>
      %get3A_746 = arith.index_cast %add3A_738 : i32 to index
      %get3A_747 = arith.constant 16 : index
      %get3A_748 = tpu.vector_load %arg11[%get3A_746, %get3A_747] {strides = array<i32>} : memref<512x64xf32, #tpu.memory_space<vmem>>, vector<16xf32>,
      %get3A_749 = arith.index_cast %add3A_738 : i32 to index
      %get3A_750 = arith.constant 16 : index
      %get3A_751 = tpu.vector_load %arg12[%get3A_749, %get3A_750] {strides = array<i32>} : memref<512x64xf32, #tpu.memory_space<vmem>>, vector<16xf32>,
      %mul3A_752 = arith.mulf %get3A_748, %get3A_751 : vector<16xf32>
      %add3A_753 = arith.addf %mul3A_745, %mul3A_752 : vector<16xf32>
      %get3A_754 = arith.index_cast %add3A_738 : i32 to index
      %get3A_755 = arith.constant 32 : index
      %get3A_756 = tpu.vector_load %arg11[%get3A_754, %get3A_755] {strides = array<i32>} : memref<512x64xf32, #tpu.memory_space<vmem>>, vector<16xf32>,
      %get3A_757 = arith.index_cast %add3A_738 : i32 to index
      %get3A_758 = arith.constant 32 : index
      %get3A_759 = tpu.vector_load %arg12[%get3A_757, %get3A_758] {strides = array<i32>} : memref<512x64xf32, #tpu.memory_space<vmem>>, vector<16xf32>,
      %mul3A_760 = arith.mulf %get3A_756, %get3A_759 : vector<16xf32>
      %add3A_761 = arith.addf %add3A_753, %mul3A_760 : vector<16xf32>
      %get3A_762 = arith.index_cast %add3A_738 : i32 to index
      %get3A_763 = arith.constant 48 : index
      %get3A_764 = tpu.vector_load %arg11[%get3A_762, %get3A_763] {strides = array<i32>} : memref<512x64xf32, #tpu.memory_space<vmem>>, vector<16xf32>,
      %get3A_765 = arith.index_cast %add3A_738 : i32 to index
      %get3A_766 = arith.constant 48 : index
      %get3A_767 = tpu.vector_load %arg12[%get3A_765, %get3A_766] {strides = array<i32>} : memref<512x64xf32, #tpu.memory_space<vmem>>, vector<16xf32>,
      %mul3A_768 = arith.mulf %get3A_764, %get3A_767 : vector<16xf32>
      %add3A_769 = arith.addf %add3A_761, %mul3A_768 : vector<16xf32>
      %mul3A_770 = arith.constant 16 : i32
      %mul3A_771 = vector.broadcast %mul3A_770 : i32 to vector<16xi32>
      %mul3A_772 = arith.muli %iota3A, %mul3A_771 : vector<16xi32>
      %add3A_773 = arith.constant 14 : i32
      %add3A_774 = vector.broadcast %add3A_773 : i32 to vector<16xi32>
      %add3A_775 = arith.addi %mul3A_772, %add3A_774 : vector<16xi32>
      tpu.vector_store_idx %arg13[%add3A_775], %add3A_769 : memref<256xf32, #tpu.memory_space<vmem>>[vector<16xi32>], vector<16xf32>,
      %add3A_776 = arith.constant 15 : i32
      %add3A_777 = arith.addi %mul3A_191, %add3A_776 : i32
      %get3A_778 = arith.index_cast %add3A_777 : i32 to index
      %get3A_779 = arith.constant 0 : index
      %get3A_780 = tpu.vector_load %arg11[%get3A_778, %get3A_779] {strides = array<i32>} : memref<512x64xf32, #tpu.memory_space<vmem>>, vector<16xf32>,
      %get3A_781 = arith.index_cast %add3A_777 : i32 to index
      %get3A_782 = arith.constant 0 : index
      %get3A_783 = tpu.vector_load %arg12[%get3A_781, %get3A_782] {strides = array<i32>} : memref<512x64xf32, #tpu.memory_space<vmem>>, vector<16xf32>,
      %mul3A_784 = arith.mulf %get3A_780, %get3A_783 : vector<16xf32>
      %get3A_785 = arith.index_cast %add3A_777 : i32 to index
      %get3A_786 = arith.constant 16 : index
      %get3A_787 = tpu.vector_load %arg11[%get3A_785, %get3A_786] {strides = array<i32>} : memref<512x64xf32, #tpu.memory_space<vmem>>, vector<16xf32>,
      %get3A_788 = arith.index_cast %add3A_777 : i32 to index
      %get3A_789 = arith.constant 16 : index
      %get3A_790 = tpu.vector_load %arg12[%get3A_788, %get3A_789] {strides = array<i32>} : memref<512x64xf32, #tpu.memory_space<vmem>>, vector<16xf32>,
      %mul3A_791 = arith.mulf %get3A_787, %get3A_790 : vector<16xf32>
      %add3A_792 = arith.addf %mul3A_784, %mul3A_791 : vector<16xf32>
      %get3A_793 = arith.index_cast %add3A_777 : i32 to index
      %get3A_794 = arith.constant 32 : index
      %get3A_795 = tpu.vector_load %arg11[%get3A_793, %get3A_794] {strides = array<i32>} : memref<512x64xf32, #tpu.memory_space<vmem>>, vector<16xf32>,
      %get3A_796 = arith.index_cast %add3A_777 : i32 to index
      %get3A_797 = arith.constant 32 : index
      %get3A_798 = tpu.vector_load %arg12[%get3A_796, %get3A_797] {strides = array<i32>} : memref<512x64xf32, #tpu.memory_space<vmem>>, vector<16xf32>,
      %mul3A_799 = arith.mulf %get3A_795, %get3A_798 : vector<16xf32>
      %add3A_800 = arith.addf %add3A_792, %mul3A_799 : vector<16xf32>
      %get3A_801 = arith.index_cast %add3A_777 : i32 to index
      %get3A_802 = arith.constant 48 : index
      %get3A_803 = tpu.vector_load %arg11[%get3A_801, %get3A_802] {strides = array<i32>} : memref<512x64xf32, #tpu.memory_space<vmem>>, vector<16xf32>,
      %get3A_804 = arith.index_cast %add3A_777 : i32 to index
      %get3A_805 = arith.constant 48 : index
      %get3A_806 = tpu.vector_load %arg12[%get3A_804, %get3A_805] {strides = array<i32>} : memref<512x64xf32, #tpu.memory_space<vmem>>, vector<16xf32>,
      %mul3A_807 = arith.mulf %get3A_803, %get3A_806 : vector<16xf32>
      %add3A_808 = arith.addf %add3A_800, %mul3A_807 : vector<16xf32>
      %mul3A_809 = arith.constant 16 : i32
      %mul3A_810 = vector.broadcast %mul3A_809 : i32 to vector<16xi32>
      %mul3A_811 = arith.muli %iota3A, %mul3A_810 : vector<16xi32>
      %add3A_812 = arith.constant 15 : i32
      %add3A_813 = vector.broadcast %add3A_812 : i32 to vector<16xi32>
      %add3A_814 = arith.addi %mul3A_811, %add3A_813 : vector<16xi32>
      tpu.vector_store_idx %arg13[%add3A_814], %add3A_808 : memref<256xf32, #tpu.memory_space<vmem>>[vector<16xi32>], vector<16xf32>,
      %get3A_815 = arith.constant 0 : index
      %get3A_816 = tpu.vector_load %arg13[%get3A_815] {strides = array<i32>} : memref<256xf32, #tpu.memory_space<vmem>>, vector<16xf32>,
      %get3A_817 = arith.constant 16 : index
      %get3A_818 = tpu.vector_load %arg13[%get3A_817] {strides = array<i32>} : memref<256xf32, #tpu.memory_space<vmem>>, vector<16xf32>,
      %add3A_819 = arith.addf %get3A_816, %get3A_818 : vector<16xf32>
      %get3A_820 = arith.constant 32 : index
      %get3A_821 = tpu.vector_load %arg13[%get3A_820] {strides = array<i32>} : memref<256xf32, #tpu.memory_space<vmem>>, vector<16xf32>,
      %add3A_822 = arith.addf %add3A_819, %get3A_821 : vector<16xf32>
      %get3A_823 = arith.constant 48 : index
      %get3A_824 = tpu.vector_load %arg13[%get3A_823] {strides = array<i32>} : memref<256xf32, #tpu.memory_space<vmem>>, vector<16xf32>,
      %add3A_825 = arith.addf %add3A_822, %get3A_824 : vector<16xf32>
      %get3A_826 = arith.constant 64 : index
      %get3A_827 = tpu.vector_load %arg13[%get3A_826] {strides = array<i32>} : memref<256xf32, #tpu.memory_space<vmem>>, vector<16xf32>,
      %add3A_828 = arith.addf %add3A_825, %get3A_827 : vector<16xf32>
      %get3A_829 = arith.constant 80 : index
      %get3A_830 = tpu.vector_load %arg13[%get3A_829] {strides = array<i32>} : memref<256xf32, #tpu.memory_space<vmem>>, vector<16xf32>,
      %add3A_831 = arith.addf %add3A_828, %get3A_830 : vector<16xf32>
      %get3A_832 = arith.constant 96 : index
      %get3A_833 = tpu.vector_load %arg13[%get3A_832] {strides = array<i32>} : memref<256xf32, #tpu.memory_space<vmem>>, vector<16xf32>,
      %add3A_834 = arith.addf %add3A_831, %get3A_833 : vector<16xf32>
      %get3A_835 = arith.constant 112 : index
      %get3A_836 = tpu.vector_load %arg13[%get3A_835] {strides = array<i32>} : memref<256xf32, #tpu.memory_space<vmem>>, vector<16xf32>,
      %add3A_837 = arith.addf %add3A_834, %get3A_836 : vector<16xf32>
      %get3A_838 = arith.constant 128 : index
      %get3A_839 = tpu.vector_load %arg13[%get3A_838] {strides = array<i32>} : memref<256xf32, #tpu.memory_space<vmem>>, vector<16xf32>,
      %add3A_840 = arith.addf %add3A_837, %get3A_839 : vector<16xf32>
      %get3A_841 = arith.constant 144 : index
      %get3A_842 = tpu.vector_load %arg13[%get3A_841] {strides = array<i32>} : memref<256xf32, #tpu.memory_space<vmem>>, vector<16xf32>,
      %add3A_843 = arith.addf %add3A_840, %get3A_842 : vector<16xf32>
      %get3A_844 = arith.constant 160 : index
      %get3A_845 = tpu.vector_load %arg13[%get3A_844] {strides = array<i32>} : memref<256xf32, #tpu.memory_space<vmem>>, vector<16xf32>,
      %add3A_846 = arith.addf %add3A_843, %get3A_845 : vector<16xf32>
      %get3A_847 = arith.constant 176 : index
      %get3A_848 = tpu.vector_load %arg13[%get3A_847] {strides = array<i32>} : memref<256xf32, #tpu.memory_space<vmem>>, vector<16xf32>,
      %add3A_849 = arith.addf %add3A_846, %get3A_848 : vector<16xf32>
      %get3A_850 = arith.constant 192 : index
      %get3A_851 = tpu.vector_load %arg13[%get3A_850] {strides = array<i32>} : memref<256xf32, #tpu.memory_space<vmem>>, vector<16xf32>,
      %add3A_852 = arith.addf %add3A_849, %get3A_851 : vector<16xf32>
      %get3A_853 = arith.constant 208 : index
      %get3A_854 = tpu.vector_load %arg13[%get3A_853] {strides = array<i32>} : memref<256xf32, #tpu.memory_space<vmem>>, vector<16xf32>,
      %add3A_855 = arith.addf %add3A_852, %get3A_854 : vector<16xf32>
      %get3A_856 = arith.constant 224 : index
      %get3A_857 = tpu.vector_load %arg13[%get3A_856] {strides = array<i32>} : memref<256xf32, #tpu.memory_space<vmem>>, vector<16xf32>,
      %add3A_858 = arith.addf %add3A_855, %get3A_857 : vector<16xf32>
      %get3A_859 = arith.constant 240 : index
      %get3A_860 = tpu.vector_load %arg13[%get3A_859] {strides = array<i32>} : memref<256xf32, #tpu.memory_space<vmem>>, vector<16xf32>,
      %add3A_861 = arith.addf %add3A_858, %get3A_860 : vector<16xf32>
      %swap3A = arith.index_cast %mul3A_191 : i32 to index
      %swap3A_862 = tpu.vector_load %arg14[%swap3A] {strides = array<i32>} : memref<512xf32, #tpu.memory_space<vmem>>, vector<16xf32>,
      tpu.vector_store %arg14[%swap3A], %add3A_861 {strides = array<i32>} : memref<512xf32, #tpu.memory_space<vmem>>, vector<16xf32>,
    }
    %scan3A_188 = arith.constant 32 : i32
    "tpu.region"() ({
      %run_scoped3A_189 = tpu.sem_alloc : memref<!tpu.dma_semaphore, #tpu.memory_space<semaphore_mem>>
      %dma_start3A_190 = arith.constant 0 : i32
      %dma_start3A_191 = tpu.memref_slice %arg7[%mul3A_2, %dma_start3A_190] : memref<16384x64xf32, #tpu.memory_space<hbm>> -> memref<512x64xf32, #tpu.memory_space<hbm>>
      %dma_start3A_192 = arith.constant 0 : i32
      %dma_start3A_193 = tpu.memref_slice %arg7[%mul3A_2, %dma_start3A_192] : memref<16384x64xf32, #tpu.memory_space<hbm>> -> memref<512x64xf32, #tpu.memory_space<hbm>>
      tpu.enqueue_dma source(%arg11 : memref<512x64xf32, #tpu.memory_space<vmem>>) target(%dma_start3A_193 : memref<512x64xf32, #tpu.memory_space<hbm>>) target_semaphore(%run_scoped3A_189 : memref<!tpu.dma_semaphore, #tpu.memory_space<semaphore_mem>>)
      %dma_wait3A_194 = arith.constant 0 : i32
      %dma_wait3A_195 = tpu.memref_slice %arg7[%mul3A_2, %dma_wait3A_194] : memref<16384x64xf32, #tpu.memory_space<hbm>> -> memref<512x64xf32, #tpu.memory_space<hbm>>
      %dma_wait3A_196 = arith.constant 0 : i32
      %dma_wait3A_197 = tpu.memref_slice %arg7[%mul3A_2, %dma_wait3A_196] : memref<16384x64xf32, #tpu.memory_space<hbm>> -> memref<512x64xf32, #tpu.memory_space<hbm>>
      tpu.wait_dma2 semaphore(%run_scoped3A_189 : memref<!tpu.dma_semaphore, #tpu.memory_space<semaphore_mem>>) src(%arg11 : memref<512x64xf32, #tpu.memory_space<vmem>>) dst(%dma_wait3A_197 : memref<512x64xf32, #tpu.memory_space<hbm>>)
      tpu.yield
    }) : () -> ()
    "tpu.region"() ({
      %run_scoped3A_189 = tpu.sem_alloc : memref<!tpu.dma_semaphore, #tpu.memory_space<semaphore_mem>>
      %dma_start3A_190 = arith.constant 0 : i32
      %dma_start3A_191 = tpu.memref_slice %arg8[%mul3A_2, %dma_start3A_190] : memref<16384x64xf32, #tpu.memory_space<hbm>> -> memref<512x64xf32, #tpu.memory_space<hbm>>
      %dma_start3A_192 = arith.constant 0 : i32
      %dma_start3A_193 = tpu.memref_slice %arg8[%mul3A_2, %dma_start3A_192] : memref<16384x64xf32, #tpu.memory_space<hbm>> -> memref<512x64xf32, #tpu.memory_space<hbm>>
      tpu.enqueue_dma source(%arg12 : memref<512x64xf32, #tpu.memory_space<vmem>>) target(%dma_start3A_193 : memref<512x64xf32, #tpu.memory_space<hbm>>) target_semaphore(%run_scoped3A_189 : memref<!tpu.dma_semaphore, #tpu.memory_space<semaphore_mem>>)
      %dma_wait3A_194 = arith.constant 0 : i32
      %dma_wait3A_195 = tpu.memref_slice %arg8[%mul3A_2, %dma_wait3A_194] : memref<16384x64xf32, #tpu.memory_space<hbm>> -> memref<512x64xf32, #tpu.memory_space<hbm>>
      %dma_wait3A_196 = arith.constant 0 : i32
      %dma_wait3A_197 = tpu.memref_slice %arg8[%mul3A_2, %dma_wait3A_196] : memref<16384x64xf32, #tpu.memory_space<hbm>> -> memref<512x64xf32, #tpu.memory_space<hbm>>
      tpu.wait_dma2 semaphore(%run_scoped3A_189 : memref<!tpu.dma_semaphore, #tpu.memory_space<semaphore_mem>>) src(%arg12 : memref<512x64xf32, #tpu.memory_space<vmem>>) dst(%dma_wait3A_197 : memref<512x64xf32, #tpu.memory_space<hbm>>)
      tpu.yield
    }) : () -> ()
    "tpu.region"() ({
      %run_scoped3A_189 = tpu.sem_alloc : memref<!tpu.dma_semaphore, #tpu.memory_space<semaphore_mem>>
      %dma_start3A_190 = tpu.memref_slice %arg6[%mul3A_2] : memref<16384xf32, #tpu.memory_space<hbm>> -> memref<512xf32, #tpu.memory_space<hbm>>
      %dma_start3A_191 = tpu.memref_slice %arg6[%mul3A_2] : memref<16384xf32, #tpu.memory_space<hbm>> -> memref<512xf32, #tpu.memory_space<hbm>>
      tpu.enqueue_dma source(%arg14 : memref<512xf32, #tpu.memory_space<vmem>>) target(%dma_start3A_191 : memref<512xf32, #tpu.memory_space<hbm>>) target_semaphore(%run_scoped3A_189 : memref<!tpu.dma_semaphore, #tpu.memory_space<semaphore_mem>>)
      %dma_wait3A_192 = tpu.memref_slice %arg6[%mul3A_2] : memref<16384xf32, #tpu.memory_space<hbm>> -> memref<512xf32, #tpu.memory_space<hbm>>
      %dma_wait3A_193 = tpu.memref_slice %arg6[%mul3A_2] : memref<16384xf32, #tpu.memory_space<hbm>> -> memref<512xf32, #tpu.memory_space<hbm>>
      tpu.wait_dma2 semaphore(%run_scoped3A_189 : memref<!tpu.dma_semaphore, #tpu.memory_space<semaphore_mem>>) src(%arg14 : memref<512xf32, #tpu.memory_space<vmem>>) dst(%dma_wait3A_193 : memref<512xf32, #tpu.memory_space<hbm>>)
      tpu.yield
    }) : () -> ()
    return
  }
}

</mosaic_0001>

<sc_bundles>
// kernel: kernel.3.cloned.1.call-start
scs
__scs_entry_jumppad:
0x0: {  	(pc) =	sbr.rel $0x88, $3  }
0x1: {  	(tag) =	ssettag $0x0;
	lr =	simm.s32 $0x1  }
0x2: {  	[smem:$0x3F9D] =	sst lr;
	_ =	strace $0xD0000000  }
0x3: {  	_ = 	snop  }
0x4: {  	_ = 	snop  }
0x5: {  	_ = 	snop  }
0x6: {  	_ = 	snop  }
0x7: {  	_ = 	snop  }
__scs_overlays_trampoline_lowered:
0x8: {  	[smem:$0x3FAC] =	sst s0  }
0x9: {  	[smem:$0x3FAD] =	sst s1  }
0xa: {  	[smem:$0x3FAE] =	sst s2  }
0xb: {  	[smem:$0x3FAF] =	sst s3  }
0xc: {  	[smem:$0x3FB0] =	sst s4  }
0xd: {  	[smem:$0x3FB1] =	sst s5  }
0xe: {  	[smem:$0x3FB2] =	sst s6  }
0xf: {  	[smem:$0x3FB3] =	sst s7  }
0x10: {  	[smem:$0x3FB4] =	sst s8  }
0x11: {  	[smem:$0x3FB5] =	sst s9;
	s0 =	simm.s32 @!p0 $0x0  }
0x12: {  	s1 =	sld [smem:$0x3F9B];
	s0 =	simm.s32 @p0 $0x1  }
0x13: {  	[smem:$0x3FB6] =	sst s0;
	s0 =	simm.s32 @!p1 $0x0  }
0x14: {  	s2 =	sld [smem:$0x3F9A];
	s0 =	simm.s32 @p1 $0x1  }
0x15: {  	[smem:$0x3FB7] =	sst s0;
	s0 =	simm.s32 @!p2 $0x0  }
0x16: {  	s3 =	sld [smem:$0x3FDB];
	s0 =	simm.s32 @p2 $0x1  }
0x17: {  	s4 =	simm.s32 $0x1BF5;
	[smem:$0x3FB9] =	sst s0  }
0x18: {  	s0 =	sld [smem:$0x3F9C];
	_ =	swait.ge [sflag:s4], $0x0  }
0x19: {  	s7 =	sld [smem:$0x3F9D]  }
0x1a: {  	s8 =	sadd.s32 $0xFFFFE003, lr  }
0x1b: {  	s9 =	sadd.s32 $0xFFFFFEF7, lr;
	s5 =	simm.s32 $0xFFFFFFFF;
	p2 =	slt.u32 s8, $0xFFFFF086  }
0x1c: {  	p1 =	slt.u32 s9, $0xF7A;
	s5 =	simm.s32 @!p2 $0x0  }
0x1d: {  	s5 =	simm.s32 @p1 $0x1;
	p0 =	seq.s32 s7, s2  }
0x1e: {  	s7 =	smul.u32 @!p0 $0xF7A, s2;
	p2 =	seq.s32 @!p0 s5, $0x0  }
0x1f: {  	s9 =	smul.u32 $0xF7A, s1;
	s8 =	simm.s32 @!p0 $0x1BF5;
	p2 =	por !p2, p0  }
0x20: {  	[sflag:s8] =	ssyncset.s32 @!p0 $0xFFFFF086;
	s6 =	sadd.s32 @!p0 s3, s7;
	s7 =	simm.s32 @!p0 $0x108  }
0x21: {  	s3 =	sadd.s32 s3, s9;
	s6 =	sadd.s32 @!p0 $0x88, s6;
	s7 =	simm.s32 @p2 $0x1082  }
0x22: {  	[simem:s7], [sflag:s8] =	dma.local @!p0 [hbm:s6], $0xF7A  }
0x23: {  	s9 =	sor.u32 $0xD0000000, s2;
	s6 =	simm.s32 $0x108;
	_ =	swait.ge @!p0 [sflag:s8], $0x0  }
0x24: {  	s3 =	sadd.s32 $0x88, s3;
	s6 =	simm.s32 @!p1 $0x1082;
	[sflag:s4] =	ssyncset.s32 $0xFFFFF086  }
0x25: {  	[simem:s6], [sflag:s4] =	dma.local [hbm:s3], $0xF7A  }
0x26: {  	[smem:$0x3F9D] =	sst s1;
	(tag) =	ssettag s2;
	_ =	strace s9  }
0x27: {  	s1 =	sld [smem:$0x3FAD]  }
0x28: {  	s2 =	sld [smem:$0x3FAE]  }
0x29: {  	s4 =	sld [smem:$0x3FB0]  }
0x2a: {  	p0 =	seq.s32 s5, $0x0;
	s5 =	sld [smem:$0x3FB1]  }
0x2b: {  	s6 =	sld [smem:$0x3FB2]  }
0x2c: {  	s7 =	sld [smem:$0x3FB3]  }
0x2d: {  	s3 =	simm.s32 $0x108;
	s8 =	sld [smem:$0x3FB4]  }
0x2e: {  	s3 =	simm.s32 @!p0 $0x1082;
	s9 =	sld [smem:$0x3FB5]  }
0x2f: {  	lr =	sadd.s32 s0, s3;
	s0 =	sld [smem:$0x3FAC]  }
0x30: {  	s3 =	sld [smem:$0x3FAF]  }
0x31: {  	[smem:$0x3FB8] =	sst s10  }
0x32: {  	s10 =	sld [smem:$0x3FB6];
	_ =	sdelay $0x3  }
0x33: {  	p0 =	seq.s32 s10, $0x1;
	s10 =	sld [smem:$0x3FB8];
	_ =	sdelay $0x3  }
0x34: {  	[smem:$0x3FB8] =	sst s10  }
0x35: {  	s10 =	sld [smem:$0x3FB7];
	_ =	sdelay $0x3  }
0x36: {  	p1 =	seq.s32 s10, $0x1;
	s10 =	sld [smem:$0x3FB8];
	_ =	sdelay $0x3  }
0x37: {  	[smem:$0x3FB8] =	sst s10  }
0x38: {  	s10 =	sld [smem:$0x3FB9]  }
0x39: {  	_ = 	snop;
	(pc) =	sbr.ind lr, $3  }
0x3a: {  	_ = 	snop  }
0x3b: {  	_ = 	snop  }
0x3c: {  	p2 =	seq.s32 s10, $0x1;
	s10 =	sld [smem:$0x3FB8]  }
0x3d: {  	_ =	shalt  }
0x3e: {  	_ =	shalt  }
0x3f: {  	_ =	shalt  }
0x40: {  	_ =	shalt  }
0x41: {  	_ =	shalt  }
0x42: {  	_ =	shalt  }
0x43: {  	_ =	shalt  }
0x44: {  	_ =	shalt  }
0x45: {  	_ =	shalt  }
0x46: {  	_ =	shalt  }
0x47: {  	_ =	shalt  }
0x48: {  	_ =	shalt  }
0x49: {  	_ =	shalt  }
0x4a: {  	_ =	shalt  }
0x4b: {  	_ =	shalt  }
0x4c: {  	_ =	shalt  }
0x4d: {  	_ =	shalt  }
0x4e: {  	_ =	shalt  }
0x4f: {  	_ =	shalt  }
0x50: {  	_ =	shalt  }
0x51: {  	_ =	shalt  }
0x52: {  	_ =	shalt  }
0x53: {  	_ =	shalt  }
0x54: {  	_ =	shalt  }
0x55: {  	_ =	shalt  }
0x56: {  	_ =	shalt  }
0x57: {  	_ =	shalt  }
0x58: {  	_ =	shalt  }
0x59: {  	_ =	shalt  }
0x5a: {  	_ =	shalt  }
0x5b: {  	_ =	shalt  }
0x5c: {  	_ =	shalt  }
0x5d: {  	_ =	shalt  }
0x5e: {  	_ =	shalt  }
0x5f: {  	_ =	shalt  }
0x60: {  	_ =	shalt  }
0x61: {  	_ =	shalt  }
0x62: {  	_ =	shalt  }
0x63: {  	_ =	shalt  }
0x64: {  	_ =	shalt  }
0x65: {  	_ =	shalt  }
0x66: {  	_ =	shalt  }
0x67: {  	_ =	shalt  }
0x68: {  	_ =	shalt  }
0x69: {  	_ =	shalt  }
0x6a: {  	_ =	shalt  }
0x6b: {  	_ =	shalt  }
0x6c: {  	_ =	shalt  }
0x6d: {  	_ =	shalt  }
0x6e: {  	_ =	shalt  }
0x6f: {  	_ =	shalt  }
0x70: {  	_ =	shalt  }
0x71: {  	_ =	shalt  }
0x72: {  	_ =	shalt  }
0x73: {  	_ =	shalt  }
0x74: {  	_ =	shalt  }
0x75: {  	_ =	shalt  }
0x76: {  	_ =	shalt  }
0x77: {  	_ =	shalt  }
0x78: {  	_ =	shalt  }
0x79: {  	_ =	shalt  }
0x7a: {  	_ =	shalt  }
0x7b: {  	_ =	shalt  }
0x7c: {  	_ =	shalt  }
0x7d: {  	_ =	shalt  }
0x7e: {  	_ =	shalt  }
0x7f: {  	_ =	shalt  }
0x80: {  	_ =	shalt  }
0x81: {  	_ =	shalt  }
0x82: {  	_ =	shalt  }
0x83: {  	_ =	shalt  }
0x84: {  	_ =	shalt  }
0x85: {  	_ =	shalt  }
0x86: {  	_ =	shalt  }
0x87: {  	_ =	shalt  }
.Lfunc_end0:
.L_simem_size_0:
called_computation_lowered:
.L_overlay_start_0:
0x88: {  	s2 =	sld [smem:$0x3FD9]  }
0x89: {  	s3 =	sld [smem:$0x3FFE];
	_ =	sdelay $0x1  }
0x8a: {  	s1 =	srdreg.scid  }
0x8b: {  	s0 =	sand.u32 $0x1, s1  }
0x8c: {  	s14 =	sshll.u32 s0, $0xA;
	s2 =	sadd.s32 s3, s2  }
0x8d: {  	s2 =	sadd.s32 s2, s14  }
0x8e: {  	[smem:$0x3FC4] =	sst s2  }
0x8f: {  	_ = 	snop  }
0x90: {  	s2 =	sld [smem:$0x3FD0];
	_ =	sdelay $0x1  }
0x91: {  	s15 =	sld [smem:$0x3FC9]  }
0x92: {  	s5 =	simm.s32 $0xA;
	s6 =	simm.s32 $0x10;
	s4 =	sld [smem:$0x3FC8]  }
0x93: {  	[smem:s6], [sflag:s5] =	dma.local [hbm:s2], $0x1  }
0x94: {  	_ =	swait.eq [sflag:s5], $0x1  }
0x95: {  	[sflag:s5] =	ssyncset.done $0x0  }
0x96: {  	s16 =	sld [smem:$0x10];
	[sflag:s5] =	ssyncadd.s32 $0xFFFFFFFF  }
0x97: {  	s17 =	sld [smem:$0x12];
	(tm) =	ssettm $0x1  }
0x98: {  	s18 =	sld [smem:$0x3FFB];
	_ =	sdelay $0x3  }
0x99: {  	_ =	strace s18  }
0x9a: {  	s6 =	sld [smem:$0x3FFC];
	_ =	sdelay $0x3  }
0x9b: {  	_ =	strace s6  }
0x9c: {  	s6 =	sld [smem:$0x3FFD];
	_ =	sdelay $0x3  }
0x9d: {  	_ =	strace s6  }
0x9e: {  	_ =	strace $0x8FFFFFFF  }
0x9f: {  	s19 =	sld [smem:$0x3FDB];
	_ =	sdelay $0x1  }
0xa0: {  	s7 =	simm.s32 $_scs_section_size  }
0xa1: {  	s8 =	simm.s32 $_size__tile_overlayer_lowered;
	s9 =	simm.s32 $_tile_overlayer_lowered  }
0xa2: {  	s22 =	simm.s32 $0x1BFF;
	s21 =	sshll.u32 s9, $0x1;
	s6 =	sadd.s32 s7, s19  }
0xa3: {  	s10 =	simm.s32 $0x0;
	s20 =	sshll.u32 s8, $0x1;
	s8 =	sadd.s32 s21, s6  }
0xa4: {  	[timem:s10], [sflag:s22] =	dma.local [hbm:s8], s20  }
0xa5: {  	_ =	swait.ge [sflag:s22], s20  }
0xa6: {  	s7 =	ssub.s32 $0x0, s20;
	[sflag:s22] =	ssyncset.done $0x0  }
0xa7: {  	[sflag:s22] =	ssyncadd.s32 s7;
	_ =	sdelay $0x1  }
0xa8: {  	s23 =	simm.s32 $0x1B8B  }
0xa9: {  	_ =	swait.ge [sflag:s23], $0x1  }
0xaa: {  	[sflag:s23] =	ssyncset.done $0x0  }
0xab: {  	s25 =	simm.s32 $0x1B8E;
	s24 =	sld [smem:$0x3FFE];
	[sflag:s23] =	ssyncadd.s32 $0xFFFFFFFF  }
0xac: {  	s26 =	simm.s32 $execute0_lowered;
	[smem:$0x3FD2] =	sst s25  }
0xad: {  	s8 =	sshll.u32 s26, $0x1;
	_ =	strace $0x80000046;
	[dreg:$0x1] =	wrdreg $0xFFFFFFFF  }
0xae: {  	s28 =	simm.s32 $_size_execute0_lowered;
	s6 =	sadd.s32 s6, s8;
	[dreg:$0x0] =	wrdreg $0x0  }
0xaf: {  	s8 =	sshll.u32 s28, $0x1;
	[dreg:$0x2] =	wrdreg s6  }
0xb0: {  	[dreg:$0x3] =	wrdreg s8  }
0xb1: {  	[dreg:$0x4] =	wrdreg $0xC0  }
0xb2: {  	_ =	task [dreg:s10], $0x5FFFF  }
0xb3: {  	[dreg:$0x1] =	wrdreg $0xFFFFFFFF  }
0xb4: {  	[dreg:$0x0] =	wrdreg $0x60  }
0xb5: {  	[dreg:$0x2] =	wrdreg s15  }
0xb6: {  	[dreg:$0x3] =	wrdreg s4  }
0xb7: {  	[dreg:$0x4] =	wrdreg s24  }
0xb8: {  	[dreg:$0x5] =	wrdreg s16  }
0xb9: {  	[dreg:$0x6] =	wrdreg s17  }
0xba: {  	[dreg:$0x7] =	wrdreg $0x9  }
0xbb: {  	_ =	task.clear_ibuf [dreg:s10], $0x8FFFF;
	_ =	strace $0x90000046  }
0xbc: {  	s29 =	simm.s32 $0x9;
	_ =	strace $0x80000048  }
0xbd: {  	_ =	swait.ge [sflag:s29], $0x1  }
0xbe: {  	[sflag:s29] =	ssyncadd.s32 $0xFFFFFFFF  }
0xbf: {  	_ =	strace $0x90000048  }
0xc0: {  	_ =	sfence  }
0xc1: {  	s30 =	sld [smem:$0x0];
	_ =	sdelay $0x2  }
0xc2: {  	s31 =	sshll.u32 s1, $0xD;
	s1 =	sshrl.u32 s1, $0x2  }
0xc3: {  	s3 =	sand.u32 $0x4000, s31;
	s1 =	sadd.s32 s1, s30  }
0xc4: {  	s0 =	sor.u32 s3, s0;
	s1 =	sshll.u32 s1, $0x11  }
0xc5: {  	s0 =	sor.u32 s1, s0  }
0xc6: {  	s0 =	sadd.s32 $0x8F2B, s0  }
0xc7: {  	[sflag:s0] =	ssyncadd.remote.s32 $0x1  }
0xc8: {  	_ =	sfence.sel $0xFFFF  }
0xc9: {  	[dreg:$0x0] =	wrdreg $0xFFFFFFFF;
	(pc) =	sbr.abs _section_cstart, $3  }
0xca: {  	[dreg:$0x1] =	wrdreg $0xFFFFFFFF  }
0xcb: {  	_ =	task.clear_ibuf [dreg:s10], $0x2FFFF;
	_ =	strace $0x9FFFFFFF  }
0xcc: {  	(tm) =	ssettm $0x7FFFFFFF  }
0xcd: {  	_ =	shalt  }
tec
execute0_lowered:
.L_overlay_start_1:
0x0: {  	(tag) =	ssettag $0x1  }
0x1: {  	s0 =	rddreg [dreg:$0x0]  }
0x2: {  	s1 =	rddreg [dreg:$0x1]  }
0x3: {  	s5 =	rddreg [dreg:$0x2]  }
0x4: {  	s6 =	rddreg [dreg:$0x3]  }
0x5: {  	s13 =	rddreg [dreg:$0x4];
	s2 =	simm.s32 $0x0;
	s3 =	srdreg.scid  }
0x6: {  	s7 =	stileid.u32;
	s17 =	simm.s32 $0x3;
	s19 =	simm.s32 $0x80  }
0x7: {  	s20 =	simm.s32 $0x280;
	s21 =	simm.s32 $0x100;
	s22 =	simm.s32 $0x300  }
0x8: {  	s23 =	simm.s32 $0x180;
	s24 =	simm.s32 $0x380;
	s28 =	simm.s32 $0x1  }
0x9: {  	s29 =	simm.s32 $0x2;
	s30 =	simm.s32 $0x10400;
	[smem:$0x7FF] =	sst s2  }
0xa: {  	s4 =	sand.u32 $0x1, s3;
	s7 =	sshll.u32 s7, $0xA;
	s3 =	sadd.s32 $0xF42C00, s5  }
0xb: {  	_ =	strace $0x80000047;
	s8 =	sshll.u32 s4, $0x9;
	s25 =	ssub.s32 $0x2, s4  }
0xc: {  	s4 =	sadd.s32 $0x16E3E00, s5;
	s7 =	sor.u32 s8, s7;
	s9 =	sshrl.u32 s25, $0x1  }
0xd: {  	v0 =	vlaneseq.u32;
	s14 =	sshll.u32 s7, $0x3;
	s16 =	ssub.s32 s25, s9;
	s15 =	sshrl.u32 s7, $0x3  }
0xe: {  	v0 =	vmul.u32 $0x10, v0;
	s25 =	simm.s32 $0x400;
	s5 =	sadd.s32 s14, s5;
	s7 =	sadd.s32 s0, s15  }
0xf: {  	s26 =	sadd.s32 s1, s15;
	s31 =	sor.u32 $0x10, s15;
	s10 =	sor.u32 $0x20, s15  }
0x10: {  	v1 =	vor.u32 $0x1, v0;
	v2 =	vor.u32 $0x2, v0;
	v3 =	vor.u32 $0x3, v0;
	s12 =	sor.u32 $0x30, s15;
	s13 =	sadd.s32 s13, s14;
	[dreg:$0x6] =	wrdreg s7  }
0x11: {  	v4 =	vor.u32 $0x4, v0;
	v5 =	vor.u32 $0x5, v0;
	v6 =	vor.u32 $0x6, v0;
	s15 =	sadd.s32 s6, s15;
	s16 =	smax.u32 s16, $0x1;
	[dreg:$0x7] =	wrdreg s26  }
0x12: {  	v7 =	vor.u32 $0x7, v0;
	v8 =	vor.u32 $0x8, v0;
	v9 =	vor.u32 $0x9, v0;
	s7 =	sadd.s32 s0, s31;
	s8 =	sadd.s32 s1, s31;
	s9 =	sadd.s32 s0, s10  }
0x13: {  	v10 =	vor.u32 $0xA, v0;
	v11 =	vor.u32 $0xB, v0;
	v12 =	vor.u32 $0xC, v0;
	s10 =	sadd.s32 s1, s10;
	s11 =	sadd.s32 s0, s12;
	s12 =	sadd.s32 s1, s12  }
0x14: {  	v13 =	vor.u32 $0xD, v0;
	v14 =	vor.u32 $0xE, v0;
	v15 =	vor.u32 $0xF, v0;
	s14 =	sadd.s32 $0x800, s5;
	s26 =	simm.s32 $0x8400;
	s0 =	simm.s32 $0x0  }
.LBB2_1:
0x15: {  	s1 =	rddreg [dreg:$0x6]  }
0x16: {  	[tilespmem:s2], [sflag:$0x3] =	stream.linear.gather [hbm4b:s1+s2], $0x80, $0x38;
	[tilespmem:$0x10700] =	vst v63  }
0x17: {  	_ =	swait.ge [sflag:s17], $0x80  }
0x18: {  	[sflag:s17] =	ssyncset.done $0x0  }
0x19: {  	s5 =	simm.s32 $0x200;
	s18 =	rddreg [dreg:$0x7];
	[sflag:s17] =	ssyncadd.s32 $0xFFFFFF80  }
0x1a: {  	[tilespmem:s5], [sflag:$0x3] =	stream.linear.gather [hbm4b:s18+s2], $0x80, $0x38;
	[tilespmem:$0x10700] =	vst v63  }
0x1b: {  	_ =	swait.ge [sflag:s17], $0x80  }
0x1c: {  	[sflag:s17] =	ssyncset.done $0x0  }
0x1d: {  	[sflag:s17] =	ssyncadd.s32 $0xFFFFFF80  }
0x1e: {  	[tilespmem:s19], [sflag:$0x3] =	stream.linear.gather [hbm4b:s7+s2], $0x80, $0x38;
	[tilespmem:$0x10700] =	vst v63  }
0x1f: {  	_ =	swait.ge [sflag:s17], $0x80  }
0x20: {  	[sflag:s17] =	ssyncset.done $0x0  }
0x21: {  	[sflag:s17] =	ssyncadd.s32 $0xFFFFFF80  }
0x22: {  	[tilespmem:s20], [sflag:$0x3] =	stream.linear.gather [hbm4b:s8+s2], $0x80, $0x38;
	[tilespmem:$0x10700] =	vst v63  }
0x23: {  	_ =	swait.ge [sflag:s17], $0x80  }
0x24: {  	[sflag:s17] =	ssyncset.done $0x0  }
0x25: {  	[sflag:s17] =	ssyncadd.s32 $0xFFFFFF80  }
0x26: {  	[tilespmem:s21], [sflag:$0x3] =	stream.linear.gather [hbm4b:s9+s2], $0x80, $0x38;
	[tilespmem:$0x10700] =	vst v63  }
0x27: {  	_ =	swait.ge [sflag:s17], $0x80  }
0x28: {  	[sflag:s17] =	ssyncset.done $0x0  }
0x29: {  	[sflag:s17] =	ssyncadd.s32 $0xFFFFFF80  }
0x2a: {  	[tilespmem:s22], [sflag:$0x3] =	stream.linear.gather [hbm4b:s10+s2], $0x80, $0x38;
	[tilespmem:$0x10700] =	vst v63  }
0x2b: {  	_ =	swait.ge [sflag:s17], $0x80  }
0x2c: {  	[sflag:s17] =	ssyncset.done $0x0  }
0x2d: {  	[sflag:s17] =	ssyncadd.s32 $0xFFFFFF80  }
0x2e: {  	[tilespmem:s23], [sflag:$0x3] =	stream.linear.gather [hbm4b:s11+s2], $0x80, $0x38;
	[tilespmem:$0x10700] =	vst v63  }
0x2f: {  	_ =	swait.ge [sflag:s17], $0x80  }
0x30: {  	[sflag:s17] =	ssyncset.done $0x0  }
0x31: {  	[sflag:s17] =	ssyncadd.s32 $0xFFFFFF80  }
0x32: {  	[tilespmem:s24], [sflag:$0x3] =	stream.linear.gather [hbm4b:s12+s2], $0x80, $0x38;
	[tilespmem:$0x10700] =	vst v63  }
0x33: {  	_ =	swait.ge [sflag:s17], $0x80  }
0x34: {  	[sflag:s17] =	ssyncset.done $0x0  }
0x35: {  	[sflag:s17] =	ssyncadd.s32 $0xFFFFFF80  }
0x36: {  	[tilespmem:s25], [sflag:$0x1] =	stream.indirect.gather [hbm4b:s3+s19], $0x40, s2, s19, $0xb8;
	[tilespmem:$0x10700] =	vst v63  }
0x37: {  	_ = 	snop  }
0x38: {  	[tilespmem:s26], [sflag:$0x2] =	stream.indirect.gather [hbm4b:s4+s19], $0x40, s5, s19, $0xb8;
	[tilespmem:$0x10700] =	vst v63  }
0x39: {  	s5 =	simm.s32 $0x2400  }
0x3a: {  	[tilespmem:s5], [sflag:$0x1] =	stream.indirect.gather [hbm4b:s3+s19], $0x40, s19, s19, $0xb8;
	[tilespmem:$0x10700] =	vst v63  }
0x3b: {  	s6 =	simm.s32 $0xA400  }
0x3c: {  	[tilespmem:s6], [sflag:$0x2] =	stream.indirect.gather [hbm4b:s4+s19], $0x40, s20, s19, $0xb8;
	[tilespmem:$0x10700] =	vst v63  }
0x3d: {  	s18 =	simm.s32 $0x4400  }
0x3e: {  	[tilespmem:s18], [sflag:$0x1] =	stream.indirect.gather [hbm4b:s3+s19], $0x40, s21, s19, $0xb8;
	[tilespmem:$0x10700] =	vst v63  }
0x3f: {  	s5 =	simm.s32 $0xC400  }
0x40: {  	[tilespmem:s5], [sflag:$0x2] =	stream.indirect.gather [hbm4b:s4+s19], $0x40, s22, s19, $0xb8;
	[tilespmem:$0x10700] =	vst v63  }
0x41: {  	s6 =	simm.s32 $0x6400  }
0x42: {  	[tilespmem:s6], [sflag:$0x1] =	stream.indirect.gather [hbm4b:s3+s19], $0x40, s23, s19, $0xb8;
	[tilespmem:$0x10700] =	vst v63  }
0x43: {  	s18 =	simm.s32 $0xE400  }
0x44: {  	[tilespmem:s18], [sflag:$0x2] =	stream.indirect.gather [hbm4b:s4+s19], $0x40, s24, s19, $0xb8;
	[tilespmem:$0x10700] =	vst v63  }
0x45: {  	_ =	swait.ge [sflag:s28], $0x2000  }
0x46: {  	[sflag:s28] =	ssyncset.done $0x0  }
0x47: {  	[sflag:s28] =	ssyncadd.s32 $0xFFFFE000  }
0x48: {  	_ =	swait.ge [sflag:s29], $0x2000  }
0x49: {  	[sflag:s29] =	ssyncset.done $0x0  }
0x4a: {  	[sflag:s29] =	ssyncadd.s32 $0xFFFFE000  }
0x4b: {  	_ =	swait.ge [sflag:s28], $0x2000  }
0x4c: {  	[sflag:s28] =	ssyncset.done $0x0  }
0x4d: {  	[sflag:s28] =	ssyncadd.s32 $0xFFFFE000  }
0x4e: {  	_ =	swait.ge [sflag:s29], $0x2000  }
0x4f: {  	[sflag:s29] =	ssyncset.done $0x0  }
0x50: {  	[sflag:s29] =	ssyncadd.s32 $0xFFFFE000  }
0x51: {  	_ =	swait.ge [sflag:s28], $0x2000  }
0x52: {  	[sflag:s28] =	ssyncset.done $0x0  }
0x53: {  	[sflag:s28] =	ssyncadd.s32 $0xFFFFE000  }
0x54: {  	_ =	swait.ge [sflag:s29], $0x2000  }
0x55: {  	[sflag:s29] =	ssyncset.done $0x0  }
0x56: {  	[sflag:s29] =	ssyncadd.s32 $0xFFFFE000  }
0x57: {  	_ =	swait.ge [sflag:s28], $0x2000  }
0x58: {  	[sflag:s28] =	ssyncset.done $0x0  }
0x59: {  	[sflag:s28] =	ssyncadd.s32 $0xFFFFE000  }
0x5a: {  	_ =	swait.ge [sflag:s29], $0x2000  }
0x5b: {  	[sflag:s29] =	ssyncset.done $0x0  }
0x5c: {  	s1 =	simm.s32 $0x0;
	[sflag:s29] =	ssyncadd.s32 $0xFFFFE000  }
0x5d: {  	v16 =	vld [tilespmem:s1+$0x8410]  }
0x5e: {  	v17 =	vld [tilespmem:s1+$0x400]  }
0x5f: {  	v18 =	vld [tilespmem:s1+$0x410]  }
0x60: {  	v19 =	vld [tilespmem:s1+$0x8400]  }
0x61: {  	v20 =	vld [tilespmem:s1+$0x8420]  }
0x62: {  	v21 =	vld [tilespmem:s1+$0x420]  }
0x63: {  	v22 =	vld [tilespmem:s1+$0x8430]  }
0x64: {  	v23 =	vld [tilespmem:s1+$0x430]  }
0x65: {  	v16 =	vmul.f32 v16, v18;
	v17 =	vmul.f32 v19, v17;
	_ =	sdelay $0x1  }
0x66: {  	v16 =	vadd.f32 v16, v17;
	v17 =	vmul.f32 v20, v21;
	_ =	sdelay $0x1  }
0x67: {  	v16 =	vadd.f32 v17, v16;
	v17 =	vmul.f32 v22, v23;
	_ =	sdelay $0x1  }
0x68: {  	v16 =	vadd.f32 v17, v16;
	_ =	sdelay $0x1  }
0x69: {  	[tilespmem:v0+s30+$0x0] =	vst.idx.msk $0xffff, v16  }
0x6a: {  	v16 =	vld [tilespmem:s1+$0x440]  }
0x6b: {  	v17 =	vld [tilespmem:s1+$0x8440]  }
0x6c: {  	v18 =	vld [tilespmem:s1+$0x450]  }
0x6d: {  	v19 =	vld [tilespmem:s1+$0x8450]  }
0x6e: {  	v20 =	vld [tilespmem:s1+$0x8460]  }
0x6f: {  	v62 =	vld [tilespmem:s1+$0x460]  }
0x70: {  	v63 =	vld [tilespmem:s1+$0x8470]  }
0x71: {  	v24 =	vld [tilespmem:s1+$0x470]  }
0x72: {  	v16 =	vmul.f32 v17, v16;
	v17 =	vmul.f32 v19, v18;
	_ =	sdelay $0x1  }
0x73: {  	v16 =	vadd.f32 v17, v16;
	v17 =	vmul.f32 v20, v62;
	_ =	sdelay $0x1  }
0x74: {  	v16 =	vadd.f32 v17, v16;
	v17 =	vmul.f32 v63, v24;
	_ =	sdelay $0x1  }
0x75: {  	v16 =	vadd.f32 v17, v16;
	_ =	sdelay $0x1  }
0x76: {  	[tilespmem:v1+s30+$0x0] =	vst.idx.msk $0xffff, v16  }
0x77: {  	v16 =	vld [tilespmem:s1+$0x8490]  }
0x78: {  	v17 =	vld [tilespmem:s1+$0x480]  }
0x79: {  	v18 =	vld [tilespmem:s1+$0x8480]  }
0x7a: {  	v19 =	vld [tilespmem:s1+$0x490]  }
0x7b: {  	v20 =	vld [tilespmem:s1+$0x84A0]  }
0x7c: {  	v25 =	vld [tilespmem:s1+$0x4A0]  }
0x7d: {  	v26 =	vld [tilespmem:s1+$0x84B0]  }
0x7e: {  	v27 =	vld [tilespmem:s1+$0x4B0]  }
0x7f: {  	v17 =	vmul.f32 v18, v17;
	v16 =	vmul.f32 v16, v19;
	_ =	sdelay $0x1  }
0x80: {  	v16 =	vadd.f32 v16, v17;
	v17 =	vmul.f32 v20, v25;
	_ =	sdelay $0x1  }
0x81: {  	v16 =	vadd.f32 v17, v16;
	v17 =	vmul.f32 v26, v27;
	_ =	sdelay $0x1  }
0x82: {  	v16 =	vadd.f32 v17, v16;
	_ =	sdelay $0x1  }
0x83: {  	[tilespmem:v2+s30+$0x0] =	vst.idx.msk $0xffff, v16  }
0x84: {  	v16 =	vld [tilespmem:s1+$0x84D0]  }
0x85: {  	v17 =	vld [tilespmem:s1+$0x4C0]  }
0x86: {  	v18 =	vld [tilespmem:s1+$0x84C0]  }
0x87: {  	v19 =	vld [tilespmem:s1+$0x4D0]  }
0x88: {  	v20 =	vld [tilespmem:s1+$0x4E0]  }
0x89: {  	v28 =	vld [tilespmem:s1+$0x84E0]  }
0x8a: {  	v29 =	vld [tilespmem:s1+$0x84F0]  }
0x8b: {  	v30 =	vld [tilespmem:s1+$0x4F0]  }
0x8c: {  	v17 =	vmul.f32 v18, v17;
	v16 =	vmul.f32 v16, v19;
	_ =	sdelay $0x1  }
0x8d: {  	v16 =	vadd.f32 v16, v17;
	v17 =	vmul.f32 v28, v20;
	_ =	sdelay $0x1  }
0x8e: {  	v16 =	vadd.f32 v17, v16;
	v17 =	vmul.f32 v29, v30;
	_ =	sdelay $0x1  }
0x8f: {  	v16 =	vadd.f32 v17, v16;
	_ =	sdelay $0x1  }
0x90: {  	[tilespmem:v3+s30+$0x0] =	vst.idx.msk $0xffff, v16  }
0x91: {  	v16 =	vld [tilespmem:s1+$0x8500]  }
0x92: {  	v17 =	vld [tilespmem:s1+$0x8510]  }
0x93: {  	v18 =	vld [tilespmem:s1+$0x500]  }
0x94: {  	v19 =	vld [tilespmem:s1+$0x510]  }
0x95: {  	v20 =	vld [tilespmem:s1+$0x520]  }
0x96: {  	v31 =	vld [tilespmem:s1+$0x8520]  }
0x97: {  	v32 =	vld [tilespmem:s1+$0x8530]  }
0x98: {  	v33 =	vld [tilespmem:s1+$0x530]  }
0x99: {  	v16 =	vmul.f32 v16, v18;
	v17 =	vmul.f32 v17, v19;
	_ =	sdelay $0x1  }
0x9a: {  	v16 =	vadd.f32 v17, v16;
	v17 =	vmul.f32 v31, v20;
	_ =	sdelay $0x1  }
0x9b: {  	v16 =	vadd.f32 v17, v16;
	v17 =	vmul.f32 v32, v33;
	_ =	sdelay $0x1  }
0x9c: {  	v16 =	vadd.f32 v17, v16;
	_ =	sdelay $0x1  }
0x9d: {  	[tilespmem:v4+s30+$0x0] =	vst.idx.msk $0xffff, v16  }
0x9e: {  	v16 =	vld [tilespmem:s1+$0x8540]  }
0x9f: {  	v17 =	vld [tilespmem:s1+$0x8550]  }
0xa0: {  	v18 =	vld [tilespmem:s1+$0x540]  }
0xa1: {  	v19 =	vld [tilespmem:s1+$0x550]  }
0xa2: {  	v20 =	vld [tilespmem:s1+$0x560]  }
0xa3: {  	v34 =	vld [tilespmem:s1+$0x8560]  }
0xa4: {  	v35 =	vld [tilespmem:s1+$0x8570]  }
0xa5: {  	v36 =	vld [tilespmem:s1+$0x570]  }
0xa6: {  	v16 =	vmul.f32 v16, v18;
	v17 =	vmul.f32 v17, v19;
	_ =	sdelay $0x1  }
0xa7: {  	v16 =	vadd.f32 v17, v16;
	v17 =	vmul.f32 v34, v20;
	_ =	sdelay $0x1  }
0xa8: {  	v16 =	vadd.f32 v17, v16;
	v17 =	vmul.f32 v35, v36;
	_ =	sdelay $0x1  }
0xa9: {  	v16 =	vadd.f32 v17, v16;
	_ =	sdelay $0x1  }
0xaa: {  	[tilespmem:v5+s30+$0x0] =	vst.idx.msk $0xffff, v16  }
0xab: {  	v16 =	vld [tilespmem:s1+$0x8580]  }
0xac: {  	v17 =	vld [tilespmem:s1+$0x8590]  }
0xad: {  	v18 =	vld [tilespmem:s1+$0x590]  }
0xae: {  	v19 =	vld [tilespmem:s1+$0x580]  }
0xaf: {  	v20 =	vld [tilespmem:s1+$0x85A0]  }
0xb0: {  	v37 =	vld [tilespmem:s1+$0x5A0]  }
0xb1: {  	v38 =	vld [tilespmem:s1+$0x85B0]  }
0xb2: {  	v39 =	vld [tilespmem:s1+$0x5B0]  }
0xb3: {  	v17 =	vmul.f32 v17, v18;
	v16 =	vmul.f32 v16, v19;
	_ =	sdelay $0x1  }
0xb4: {  	v16 =	vadd.f32 v17, v16;
	v17 =	vmul.f32 v20, v37;
	_ =	sdelay $0x1  }
0xb5: {  	v16 =	vadd.f32 v17, v16;
	v17 =	vmul.f32 v38, v39;
	_ =	sdelay $0x1  }
0xb6: {  	v16 =	vadd.f32 v17, v16;
	_ =	sdelay $0x1  }
0xb7: {  	[tilespmem:v6+s30+$0x0] =	vst.idx.msk $0xffff, v16  }
0xb8: {  	v16 =	vld [tilespmem:s1+$0x5C0]  }
0xb9: {  	v17 =	vld [tilespmem:s1+$0x85C0]  }
0xba: {  	v18 =	vld [tilespmem:s1+$0x85D0]  }
0xbb: {  	v19 =	vld [tilespmem:s1+$0x5D0]  }
0xbc: {  	v20 =	vld [tilespmem:s1+$0x85E0]  }
0xbd: {  	v40 =	vld [tilespmem:s1+$0x5E0]  }
0xbe: {  	v41 =	vld [tilespmem:s1+$0x85F0]  }
0xbf: {  	v42 =	vld [tilespmem:s1+$0x5F0]  }
0xc0: {  	v16 =	vmul.f32 v17, v16;
	v17 =	vmul.f32 v18, v19;
	_ =	sdelay $0x1  }
0xc1: {  	v16 =	vadd.f32 v17, v16;
	v17 =	vmul.f32 v20, v40;
	_ =	sdelay $0x1  }
0xc2: {  	v16 =	vadd.f32 v17, v16;
	v17 =	vmul.f32 v41, v42;
	_ =	sdelay $0x1  }
0xc3: {  	v16 =	vadd.f32 v17, v16;
	_ =	sdelay $0x1  }
0xc4: {  	[tilespmem:v7+s30+$0x0] =	vst.idx.msk $0xffff, v16  }
0xc5: {  	v16 =	vld [tilespmem:s1+$0x8600]  }
0xc6: {  	v17 =	vld [tilespmem:s1+$0x8610]  }
0xc7: {  	v18 =	vld [tilespmem:s1+$0x600]  }
0xc8: {  	v19 =	vld [tilespmem:s1+$0x610]  }
0xc9: {  	v20 =	vld [tilespmem:s1+$0x8620]  }
0xca: {  	v43 =	vld [tilespmem:s1+$0x620]  }
0xcb: {  	v44 =	vld [tilespmem:s1+$0x8630]  }
0xcc: {  	v45 =	vld [tilespmem:s1+$0x630]  }
0xcd: {  	v16 =	vmul.f32 v16, v18;
	v17 =	vmul.f32 v17, v19;
	_ =	sdelay $0x1  }
0xce: {  	v16 =	vadd.f32 v17, v16;
	v17 =	vmul.f32 v20, v43;
	_ =	sdelay $0x1  }
0xcf: {  	v16 =	vadd.f32 v17, v16;
	v17 =	vmul.f32 v44, v45;
	_ =	sdelay $0x1  }
0xd0: {  	v16 =	vadd.f32 v17, v16;
	_ =	sdelay $0x1  }
0xd1: {  	[tilespmem:v8+s30+$0x0] =	vst.idx.msk $0xffff, v16  }
0xd2: {  	v16 =	vld [tilespmem:s1+$0x8640]  }
0xd3: {  	v17 =	vld [tilespmem:s1+$0x8650]  }
0xd4: {  	v18 =	vld [tilespmem:s1+$0x650]  }
0xd5: {  	v19 =	vld [tilespmem:s1+$0x640]  }
0xd6: {  	v20 =	vld [tilespmem:s1+$0x660]  }
0xd7: {  	v46 =	vld [tilespmem:s1+$0x8660]  }
0xd8: {  	v47 =	vld [tilespmem:s1+$0x670]  }
0xd9: {  	v48 =	vld [tilespmem:s1+$0x8670]  }
0xda: {  	v17 =	vmul.f32 v17, v18;
	v16 =	vmul.f32 v16, v19;
	_ =	sdelay $0x1  }
0xdb: {  	v16 =	vadd.f32 v17, v16;
	v17 =	vmul.f32 v46, v20;
	_ =	sdelay $0x1  }
0xdc: {  	v16 =	vadd.f32 v17, v16;
	v17 =	vmul.f32 v48, v47;
	_ =	sdelay $0x1  }
0xdd: {  	v16 =	vadd.f32 v17, v16;
	_ =	sdelay $0x1  }
0xde: {  	[tilespmem:v9+s30+$0x0] =	vst.idx.msk $0xffff, v16  }
0xdf: {  	v16 =	vld [tilespmem:s1+$0x8690]  }
0xe0: {  	v17 =	vld [tilespmem:s1+$0x8680]  }
0xe1: {  	v18 =	vld [tilespmem:s1+$0x680]  }
0xe2: {  	v19 =	vld [tilespmem:s1+$0x690]  }
0xe3: {  	v20 =	vld [tilespmem:s1+$0x6A0]  }
0xe4: {  	v49 =	vld [tilespmem:s1+$0x86A0]  }
0xe5: {  	v50 =	vld [tilespmem:s1+$0x6B0]  }
0xe6: {  	v51 =	vld [tilespmem:s1+$0x86B0]  }
0xe7: {  	v17 =	vmul.f32 v17, v18;
	v16 =	vmul.f32 v16, v19;
	_ =	sdelay $0x1  }
0xe8: {  	v16 =	vadd.f32 v16, v17;
	v17 =	vmul.f32 v49, v20;
	_ =	sdelay $0x1  }
0xe9: {  	v16 =	vadd.f32 v17, v16;
	v17 =	vmul.f32 v51, v50;
	_ =	sdelay $0x1  }
0xea: {  	v16 =	vadd.f32 v17, v16;
	_ =	sdelay $0x1  }
0xeb: {  	[tilespmem:v10+s30+$0x0] =	vst.idx.msk $0xffff, v16  }
0xec: {  	v16 =	vld [tilespmem:s1+$0x86C0]  }
0xed: {  	v17 =	vld [tilespmem:s1+$0x86D0]  }
0xee: {  	v18 =	vld [tilespmem:s1+$0x6C0]  }
0xef: {  	v19 =	vld [tilespmem:s1+$0x6D0]  }
0xf0: {  	v20 =	vld [tilespmem:s1+$0x6E0]  }
0xf1: {  	v52 =	vld [tilespmem:s1+$0x86E0]  }
0xf2: {  	v53 =	vld [tilespmem:s1+$0x6F0]  }
0xf3: {  	v54 =	vld [tilespmem:s1+$0x86F0]  }
0xf4: {  	v16 =	vmul.f32 v16, v18;
	v17 =	vmul.f32 v17, v19;
	_ =	sdelay $0x1  }
0xf5: {  	v16 =	vadd.f32 v17, v16;
	v17 =	vmul.f32 v52, v20;
	_ =	sdelay $0x1  }
0xf6: {  	v16 =	vadd.f32 v17, v16;
	v17 =	vmul.f32 v54, v53;
	_ =	sdelay $0x1  }
0xf7: {  	v16 =	vadd.f32 v17, v16;
	_ =	sdelay $0x1  }
0xf8: {  	[tilespmem:v11+s30+$0x0] =	vst.idx.msk $0xffff, v16  }
0xf9: {  	v16 =	vld [tilespmem:s1+$0x8700]  }
0xfa: {  	v17 =	vld [tilespmem:s1+$0x8710]  }
0xfb: {  	v18 =	vld [tilespmem:s1+$0x700]  }
0xfc: {  	v19 =	vld [tilespmem:s1+$0x710]  }
0xfd: {  	v20 =	vld [tilespmem:s1+$0x720]  }
0xfe: {  	v55 =	vld [tilespmem:s1+$0x8720]  }
0xff: {  	v56 =	vld [tilespmem:s1+$0x730]  }
0x100: {  	v57 =	vld [tilespmem:s1+$0x8730]  }
0x101: {  	v16 =	vmul.f32 v16, v18;
	v17 =	vmul.f32 v17, v19;
	_ =	sdelay $0x1  }
0x102: {  	v16 =	vadd.f32 v17, v16;
	v17 =	vmul.f32 v55, v20;
	_ =	sdelay $0x1  }
0x103: {  	v16 =	vadd.f32 v17, v16;
	v17 =	vmul.f32 v57, v56;
	_ =	sdelay $0x1  }
0x104: {  	v16 =	vadd.f32 v17, v16;
	_ =	sdelay $0x1  }
0x105: {  	[tilespmem:v12+s30+$0x0] =	vst.idx.msk $0xffff, v16  }
0x106: {  	v16 =	vld [tilespmem:s1+$0x8740]  }
0x107: {  	v17 =	vld [tilespmem:s1+$0x8750]  }
0x108: {  	v18 =	vld [tilespmem:s1+$0x740]  }
0x109: {  	v19 =	vld [tilespmem:s1+$0x750]  }
0x10a: {  	v20 =	vld [tilespmem:s1+$0x760]  }
0x10b: {  	v58 =	vld [tilespmem:s1+$0x8760]  }
0x10c: {  	v59 =	vld [tilespmem:s1+$0x770]  }
0x10d: {  	v60 =	vld [tilespmem:s1+$0x8770]  }
0x10e: {  	v16 =	vmul.f32 v16, v18;
	v17 =	vmul.f32 v17, v19;
	_ =	sdelay $0x1  }
0x10f: {  	v16 =	vadd.f32 v17, v16;
	v17 =	vmul.f32 v58, v20;
	_ =	sdelay $0x1  }
0x110: {  	v16 =	vadd.f32 v17, v16;
	v17 =	vmul.f32 v60, v59;
	_ =	sdelay $0x1  }
0x111: {  	v16 =	vadd.f32 v17, v16;
	_ =	sdelay $0x1  }
0x112: {  	[tilespmem:v13+s30+$0x0] =	vst.idx.msk $0xffff, v16  }
0x113: {  	v16 =	vld [tilespmem:s1+$0x8780]  }
0x114: {  	v17 =	vld [tilespmem:s1+$0x8790]  }
0x115: {  	v18 =	vld [tilespmem:s1+$0x780]  }
0x116: {  	v19 =	vld [tilespmem:s1+$0x790]  }
0x117: {  	v20 =	vld [tilespmem:s1+$0x7A0]  }
0x118: {  	v61 =	vld [tilespmem:s1+$0x87A0]  }
0x119: {  	v62 =	vld [tilespmem:s1+$0x7B0]  }
0x11a: {  	v63 =	vld [tilespmem:s1+$0x87B0]  }
0x11b: {  	v16 =	vmul.f32 v16, v18;
	v17 =	vmul.f32 v17, v19;
	_ =	sdelay $0x1  }
0x11c: {  	v16 =	vadd.f32 v17, v16;
	v17 =	vmul.f32 v61, v20;
	_ =	sdelay $0x1  }
0x11d: {  	v16 =	vadd.f32 v17, v16;
	v17 =	vmul.f32 v63, v62;
	_ =	sdelay $0x1  }
0x11e: {  	v16 =	vadd.f32 v17, v16;
	_ =	sdelay $0x1  }
0x11f: {  	[tilespmem:v14+s30+$0x0] =	vst.idx.msk $0xffff, v16  }
0x120: {  	v16 =	vld [tilespmem:s1+$0x87C0]  }
0x121: {  	v18 =	vld [tilespmem:s1+$0x7C0]  }
0x122: {  	v17 =	vld [tilespmem:s1+$0x87D0]  }
0x123: {  	s31 =	simm.s32 $0x10500;
	s5 =	simm.s32 $0x1000;
	s18 =	simm.s32 $0x10500;
	v19 =	vld [tilespmem:s1+$0x7D0]  }
.LBB2_2:
0x124: {  	p0 =	sne.s32 s5, $0x1F000  }
0x125: {  	v20 =	vld [tilespmem:s1+$0x7E0];
	s18 =	sadd.s32 $0x10, s18;
	s6 =	smov.u32 s5;
	s5 =	sadd.s32 $0x1000, s5  }
0x126: {  	v21 =	vld [tilespmem:s1+$0x87E0]  }
0x127: {  	v16 =	vmul.f32 v16, v18;
	v18 =	vld [tilespmem:s1+$0x7F0]  }
0x128: {  	v22 =	vld [tilespmem:s1+$0x87F0]  }
0x129: {  	v17 =	vmul.f32 v17, v19;
	_ =	sdelay $0x1  }
0x12a: {  	v16 =	vadd.f32 v17, v16;
	v17 =	vmul.f32 v21, v20;
	_ =	sdelay $0x1  }
0x12b: {  	v16 =	vadd.f32 v17, v16;
	v17 =	vmul.f32 v22, v18;
	_ =	sdelay $0x1  }
0x12c: {  	v16 =	vadd.f32 v17, v16;
	_ =	sdelay $0x1  }
0x12d: {  	[tilespmem:v15+s30+$0x0] =	vst.idx.msk $0xffff, v16  }
0x12e: {  	v16 =	vld [tilespmem:$0x10400]  }
0x12f: {  	v17 =	vld [tilespmem:$0x10410]  }
0x130: {  	v18 =	vld [tilespmem:$0x10420]  }
0x131: {  	v19 =	vld [tilespmem:$0x10430]  }
0x132: {  	v20 =	vld [tilespmem:$0x10440]  }
0x133: {  	v21 =	vld [tilespmem:$0x10450]  }
0x134: {  	v16 =	vadd.f32 v17, v16;
	v17 =	vld [tilespmem:$0x10460]  }
0x135: {  	v22 =	vld [tilespmem:$0x10470]  }
0x136: {  	v16 =	vadd.f32 v18, v16;
	v18 =	vld [tilespmem:$0x10480]  }
0x137: {  	v23 =	vld [tilespmem:$0x10490]  }
0x138: {  	v16 =	vadd.f32 v19, v16;
	v19 =	vld [tilespmem:$0x104A0]  }
0x139: {  	v24 =	vld [tilespmem:$0x104B0]  }
0x13a: {  	v16 =	vadd.f32 v20, v16;
	v20 =	vld [tilespmem:$0x104C0]  }
0x13b: {  	v25 =	vld [tilespmem:$0x104D0]  }
0x13c: {  	v16 =	vadd.f32 v21, v16;
	v21 =	vld [tilespmem:$0x104E0]  }
0x13d: {  	v26 =	vld [tilespmem:$0x104F0]  }
0x13e: {  	v16 =	vadd.f32 v17, v16;
	_ =	sdelay $0x1  }
0x13f: {  	v16 =	vadd.f32 v22, v16;
	_ =	sdelay $0x1  }
0x140: {  	v16 =	vadd.f32 v18, v16;
	_ =	sdelay $0x1  }
0x141: {  	v16 =	vadd.f32 v23, v16;
	_ =	sdelay $0x1  }
0x142: {  	v16 =	vadd.f32 v19, v16;
	_ =	sdelay $0x1  }
0x143: {  	v16 =	vadd.f32 v24, v16;
	_ =	sdelay $0x1  }
0x144: {  	v16 =	vadd.f32 v20, v16;
	_ =	sdelay $0x1  }
0x145: {  	v16 =	vadd.f32 v25, v16;
	_ =	sdelay $0x1  }
0x146: {  	v16 =	vadd.f32 v21, v16;
	_ =	sdelay $0x1  }
0x147: {  	v16 =	vadd.f32 v26, v16;
	_ =	sdelay $0x1  }
0x148: {  	s1 =	sshra.s32 s6, $0x2;
	[tilespmem:s31+$0x0] =	vst v16;
	s31 =	smov.u32 s18  }
0x149: {  	v16 =	vld [tilespmem:s1+$0x8410]  }
0x14a: {  	v17 =	vld [tilespmem:s1+$0x400]  }
0x14b: {  	v18 =	vld [tilespmem:s1+$0x410]  }
0x14c: {  	v19 =	vld [tilespmem:s1+$0x8400]  }
0x14d: {  	v20 =	vld [tilespmem:s1+$0x8420]  }
0x14e: {  	v21 =	vld [tilespmem:s1+$0x420]  }
0x14f: {  	v22 =	vld [tilespmem:s1+$0x8430]  }
0x150: {  	v16 =	vmul.f32 v16, v18;
	v18 =	vld [tilespmem:s1+$0x430]  }
0x151: {  	v17 =	vmul.f32 v19, v17;
	_ =	sdelay $0x1  }
0x152: {  	v16 =	vadd.f32 v16, v17;
	v17 =	vmul.f32 v20, v21;
	_ =	sdelay $0x1  }
0x153: {  	v16 =	vadd.f32 v17, v16;
	v17 =	vmul.f32 v22, v18;
	_ =	sdelay $0x1  }
0x154: {  	v16 =	vadd.f32 v17, v16;
	_ =	sdelay $0x1  }
0x155: {  	[tilespmem:v0+s30+$0x0] =	vst.idx.msk $0xffff, v16  }
0x156: {  	v16 =	vld [tilespmem:s1+$0x440]  }
0x157: {  	v17 =	vld [tilespmem:s1+$0x8440]  }
0x158: {  	v18 =	vld [tilespmem:s1+$0x450]  }
0x159: {  	v19 =	vld [tilespmem:s1+$0x8450]  }
0x15a: {  	v20 =	vld [tilespmem:s1+$0x8460]  }
0x15b: {  	v21 =	vld [tilespmem:s1+$0x460]  }
0x15c: {  	v16 =	vmul.f32 v17, v16;
	v17 =	vld [tilespmem:s1+$0x8470]  }
0x15d: {  	v22 =	vld [tilespmem:s1+$0x470]  }
0x15e: {  	v18 =	vmul.f32 v19, v18;
	_ =	sdelay $0x1  }
0x15f: {  	v16 =	vadd.f32 v18, v16;
	v18 =	vmul.f32 v20, v21;
	_ =	sdelay $0x1  }
0x160: {  	v16 =	vadd.f32 v18, v16;
	v17 =	vmul.f32 v17, v22;
	_ =	sdelay $0x1  }
0x161: {  	v16 =	vadd.f32 v17, v16;
	_ =	sdelay $0x1  }
0x162: {  	[tilespmem:v1+s30+$0x0] =	vst.idx.msk $0xffff, v16  }
0x163: {  	v16 =	vld [tilespmem:s1+$0x8490]  }
0x164: {  	v17 =	vld [tilespmem:s1+$0x480]  }
0x165: {  	v18 =	vld [tilespmem:s1+$0x8480]  }
0x166: {  	v19 =	vld [tilespmem:s1+$0x490]  }
0x167: {  	v20 =	vld [tilespmem:s1+$0x84A0]  }
0x168: {  	v21 =	vld [tilespmem:s1+$0x4A0]  }
0x169: {  	v22 =	vld [tilespmem:s1+$0x84B0]  }
0x16a: {  	v17 =	vmul.f32 v18, v17;
	v18 =	vld [tilespmem:s1+$0x4B0]  }
0x16b: {  	v16 =	vmul.f32 v16, v19;
	_ =	sdelay $0x1  }
0x16c: {  	v16 =	vadd.f32 v16, v17;
	v17 =	vmul.f32 v20, v21;
	_ =	sdelay $0x1  }
0x16d: {  	v16 =	vadd.f32 v17, v16;
	v17 =	vmul.f32 v22, v18;
	_ =	sdelay $0x1  }
0x16e: {  	v16 =	vadd.f32 v17, v16;
	_ =	sdelay $0x1  }
0x16f: {  	[tilespmem:v2+s30+$0x0] =	vst.idx.msk $0xffff, v16  }
0x170: {  	v16 =	vld [tilespmem:s1+$0x84D0]  }
0x171: {  	v17 =	vld [tilespmem:s1+$0x4C0]  }
0x172: {  	v18 =	vld [tilespmem:s1+$0x84C0]  }
0x173: {  	v19 =	vld [tilespmem:s1+$0x4D0]  }
0x174: {  	v20 =	vld [tilespmem:s1+$0x4E0]  }
0x175: {  	v21 =	vld [tilespmem:s1+$0x84E0]  }
0x176: {  	v22 =	vld [tilespmem:s1+$0x84F0]  }
0x177: {  	v17 =	vmul.f32 v18, v17;
	v18 =	vld [tilespmem:s1+$0x4F0]  }
0x178: {  	v16 =	vmul.f32 v16, v19;
	_ =	sdelay $0x1  }
0x179: {  	v16 =	vadd.f32 v16, v17;
	v17 =	vmul.f32 v21, v20;
	_ =	sdelay $0x1  }
0x17a: {  	v16 =	vadd.f32 v17, v16;
	v17 =	vmul.f32 v22, v18;
	_ =	sdelay $0x1  }
0x17b: {  	v16 =	vadd.f32 v17, v16;
	_ =	sdelay $0x1  }
0x17c: {  	[tilespmem:v3+s30+$0x0] =	vst.idx.msk $0xffff, v16  }
0x17d: {  	v16 =	vld [tilespmem:s1+$0x8500]  }
0x17e: {  	v17 =	vld [tilespmem:s1+$0x8510]  }
0x17f: {  	v18 =	vld [tilespmem:s1+$0x500]  }
0x180: {  	v19 =	vld [tilespmem:s1+$0x510]  }
0x181: {  	v20 =	vld [tilespmem:s1+$0x520]  }
0x182: {  	v21 =	vld [tilespmem:s1+$0x8520]  }
0x183: {  	v22 =	vld [tilespmem:s1+$0x8530]  }
0x184: {  	v16 =	vmul.f32 v16, v18;
	v18 =	vld [tilespmem:s1+$0x530]  }
0x185: {  	v17 =	vmul.f32 v17, v19;
	_ =	sdelay $0x1  }
0x186: {  	v16 =	vadd.f32 v17, v16;
	v17 =	vmul.f32 v21, v20;
	_ =	sdelay $0x1  }
0x187: {  	v16 =	vadd.f32 v17, v16;
	v17 =	vmul.f32 v22, v18;
	_ =	sdelay $0x1  }
0x188: {  	v16 =	vadd.f32 v17, v16;
	_ =	sdelay $0x1  }
0x189: {  	[tilespmem:v4+s30+$0x0] =	vst.idx.msk $0xffff, v16  }
0x18a: {  	v16 =	vld [tilespmem:s1+$0x8540]  }
0x18b: {  	v17 =	vld [tilespmem:s1+$0x8550]  }
0x18c: {  	v18 =	vld [tilespmem:s1+$0x540]  }
0x18d: {  	v19 =	vld [tilespmem:s1+$0x550]  }
0x18e: {  	v20 =	vld [tilespmem:s1+$0x560]  }
0x18f: {  	v21 =	vld [tilespmem:s1+$0x8560]  }
0x190: {  	v22 =	vld [tilespmem:s1+$0x8570]  }
0x191: {  	v16 =	vmul.f32 v16, v18;
	v18 =	vld [tilespmem:s1+$0x570]  }
0x192: {  	v17 =	vmul.f32 v17, v19;
	_ =	sdelay $0x1  }
0x193: {  	v16 =	vadd.f32 v17, v16;
	v17 =	vmul.f32 v21, v20;
	_ =	sdelay $0x1  }
0x194: {  	v16 =	vadd.f32 v17, v16;
	v17 =	vmul.f32 v22, v18;
	_ =	sdelay $0x1  }
0x195: {  	v16 =	vadd.f32 v17, v16;
	_ =	sdelay $0x1  }
0x196: {  	[tilespmem:v5+s30+$0x0] =	vst.idx.msk $0xffff, v16  }
0x197: {  	v16 =	vld [tilespmem:s1+$0x8580]  }
0x198: {  	v17 =	vld [tilespmem:s1+$0x8590]  }
0x199: {  	v18 =	vld [tilespmem:s1+$0x590]  }
0x19a: {  	v19 =	vld [tilespmem:s1+$0x580]  }
0x19b: {  	v20 =	vld [tilespmem:s1+$0x85A0]  }
0x19c: {  	v21 =	vld [tilespmem:s1+$0x5A0]  }
0x19d: {  	v22 =	vld [tilespmem:s1+$0x85B0]  }
0x19e: {  	v17 =	vmul.f32 v17, v18;
	v18 =	vld [tilespmem:s1+$0x5B0]  }
0x19f: {  	v16 =	vmul.f32 v16, v19;
	_ =	sdelay $0x1  }
0x1a0: {  	v16 =	vadd.f32 v17, v16;
	v17 =	vmul.f32 v20, v21;
	_ =	sdelay $0x1  }
0x1a1: {  	v16 =	vadd.f32 v17, v16;
	v17 =	vmul.f32 v22, v18;
	_ =	sdelay $0x1  }
0x1a2: {  	v16 =	vadd.f32 v17, v16;
	_ =	sdelay $0x1  }
0x1a3: {  	[tilespmem:v6+s30+$0x0] =	vst.idx.msk $0xffff, v16  }
0x1a4: {  	v16 =	vld [tilespmem:s1+$0x5C0]  }
0x1a5: {  	v17 =	vld [tilespmem:s1+$0x85C0]  }
0x1a6: {  	v18 =	vld [tilespmem:s1+$0x85D0]  }
0x1a7: {  	v19 =	vld [tilespmem:s1+$0x5D0]  }
0x1a8: {  	v20 =	vld [tilespmem:s1+$0x85E0]  }
0x1a9: {  	v21 =	vld [tilespmem:s1+$0x5E0]  }
0x1aa: {  	v16 =	vmul.f32 v17, v16;
	v17 =	vld [tilespmem:s1+$0x85F0]  }
0x1ab: {  	v22 =	vld [tilespmem:s1+$0x5F0]  }
0x1ac: {  	v18 =	vmul.f32 v18, v19;
	_ =	sdelay $0x1  }
0x1ad: {  	v16 =	vadd.f32 v18, v16;
	v18 =	vmul.f32 v20, v21;
	_ =	sdelay $0x1  }
0x1ae: {  	v16 =	vadd.f32 v18, v16;
	v17 =	vmul.f32 v17, v22;
	_ =	sdelay $0x1  }
0x1af: {  	v16 =	vadd.f32 v17, v16;
	_ =	sdelay $0x1  }
0x1b0: {  	[tilespmem:v7+s30+$0x0] =	vst.idx.msk $0xffff, v16  }
0x1b1: {  	v16 =	vld [tilespmem:s1+$0x8600]  }
0x1b2: {  	v17 =	vld [tilespmem:s1+$0x8610]  }
0x1b3: {  	v18 =	vld [tilespmem:s1+$0x600]  }
0x1b4: {  	v19 =	vld [tilespmem:s1+$0x610]  }
0x1b5: {  	v20 =	vld [tilespmem:s1+$0x8620]  }
0x1b6: {  	v21 =	vld [tilespmem:s1+$0x620]  }
0x1b7: {  	v22 =	vld [tilespmem:s1+$0x8630]  }
0x1b8: {  	v16 =	vmul.f32 v16, v18;
	v18 =	vld [tilespmem:s1+$0x630]  }
0x1b9: {  	v17 =	vmul.f32 v17, v19;
	_ =	sdelay $0x1  }
0x1ba: {  	v16 =	vadd.f32 v17, v16;
	v17 =	vmul.f32 v20, v21;
	_ =	sdelay $0x1  }
0x1bb: {  	v16 =	vadd.f32 v17, v16;
	v17 =	vmul.f32 v22, v18;
	_ =	sdelay $0x1  }
0x1bc: {  	v16 =	vadd.f32 v17, v16;
	_ =	sdelay $0x1  }
0x1bd: {  	[tilespmem:v8+s30+$0x0] =	vst.idx.msk $0xffff, v16  }
0x1be: {  	v16 =	vld [tilespmem:s1+$0x8640]  }
0x1bf: {  	v17 =	vld [tilespmem:s1+$0x8650]  }
0x1c0: {  	v18 =	vld [tilespmem:s1+$0x650]  }
0x1c1: {  	v19 =	vld [tilespmem:s1+$0x640]  }
0x1c2: {  	v20 =	vld [tilespmem:s1+$0x660]  }
0x1c3: {  	v21 =	vld [tilespmem:s1+$0x8660]  }
0x1c4: {  	v22 =	vld [tilespmem:s1+$0x670]  }
0x1c5: {  	v17 =	vmul.f32 v17, v18;
	v18 =	vld [tilespmem:s1+$0x8670]  }
0x1c6: {  	v16 =	vmul.f32 v16, v19;
	_ =	sdelay $0x1  }
0x1c7: {  	v16 =	vadd.f32 v17, v16;
	v17 =	vmul.f32 v21, v20;
	_ =	sdelay $0x1  }
0x1c8: {  	v16 =	vadd.f32 v17, v16;
	v17 =	vmul.f32 v18, v22;
	_ =	sdelay $0x1  }
0x1c9: {  	v16 =	vadd.f32 v17, v16;
	_ =	sdelay $0x1  }
0x1ca: {  	[tilespmem:v9+s30+$0x0] =	vst.idx.msk $0xffff, v16  }
0x1cb: {  	v16 =	vld [tilespmem:s1+$0x8690]  }
0x1cc: {  	v17 =	vld [tilespmem:s1+$0x8680]  }
0x1cd: {  	v18 =	vld [tilespmem:s1+$0x680]  }
0x1ce: {  	v19 =	vld [tilespmem:s1+$0x690]  }
0x1cf: {  	v20 =	vld [tilespmem:s1+$0x6A0]  }
0x1d0: {  	v21 =	vld [tilespmem:s1+$0x86A0]  }
0x1d1: {  	v22 =	vld [tilespmem:s1+$0x6B0]  }
0x1d2: {  	v17 =	vmul.f32 v17, v18;
	v18 =	vld [tilespmem:s1+$0x86B0]  }
0x1d3: {  	v16 =	vmul.f32 v16, v19;
	_ =	sdelay $0x1  }
0x1d4: {  	v16 =	vadd.f32 v16, v17;
	v17 =	vmul.f32 v21, v20;
	_ =	sdelay $0x1  }
0x1d5: {  	v16 =	vadd.f32 v17, v16;
	v17 =	vmul.f32 v18, v22;
	_ =	sdelay $0x1  }
0x1d6: {  	v16 =	vadd.f32 v17, v16;
	_ =	sdelay $0x1  }
0x1d7: {  	[tilespmem:v10+s30+$0x0] =	vst.idx.msk $0xffff, v16  }
0x1d8: {  	v16 =	vld [tilespmem:s1+$0x86C0]  }
0x1d9: {  	v17 =	vld [tilespmem:s1+$0x86D0]  }
0x1da: {  	v18 =	vld [tilespmem:s1+$0x6C0]  }
0x1db: {  	v19 =	vld [tilespmem:s1+$0x6D0]  }
0x1dc: {  	v20 =	vld [tilespmem:s1+$0x6E0]  }
0x1dd: {  	v21 =	vld [tilespmem:s1+$0x86E0]  }
0x1de: {  	v22 =	vld [tilespmem:s1+$0x6F0]  }
0x1df: {  	v16 =	vmul.f32 v16, v18;
	v18 =	vld [tilespmem:s1+$0x86F0]  }
0x1e0: {  	v17 =	vmul.f32 v17, v19;
	_ =	sdelay $0x1  }
0x1e1: {  	v16 =	vadd.f32 v17, v16;
	v17 =	vmul.f32 v21, v20;
	_ =	sdelay $0x1  }
0x1e2: {  	v16 =	vadd.f32 v17, v16;
	v17 =	vmul.f32 v18, v22;
	_ =	sdelay $0x1  }
0x1e3: {  	v16 =	vadd.f32 v17, v16;
	_ =	sdelay $0x1  }
0x1e4: {  	[tilespmem:v11+s30+$0x0] =	vst.idx.msk $0xffff, v16  }
0x1e5: {  	v16 =	vld [tilespmem:s1+$0x8700]  }
0x1e6: {  	v17 =	vld [tilespmem:s1+$0x8710]  }
0x1e7: {  	v18 =	vld [tilespmem:s1+$0x700]  }
0x1e8: {  	v19 =	vld [tilespmem:s1+$0x710]  }
0x1e9: {  	v20 =	vld [tilespmem:s1+$0x720]  }
0x1ea: {  	v21 =	vld [tilespmem:s1+$0x8720]  }
0x1eb: {  	v22 =	vld [tilespmem:s1+$0x730]  }
0x1ec: {  	v16 =	vmul.f32 v16, v18;
	v18 =	vld [tilespmem:s1+$0x8730]  }
0x1ed: {  	v17 =	vmul.f32 v17, v19;
	_ =	sdelay $0x1  }
0x1ee: {  	v16 =	vadd.f32 v17, v16;
	v17 =	vmul.f32 v21, v20;
	_ =	sdelay $0x1  }
0x1ef: {  	v16 =	vadd.f32 v17, v16;
	v17 =	vmul.f32 v18, v22;
	_ =	sdelay $0x1  }
0x1f0: {  	v16 =	vadd.f32 v17, v16;
	_ =	sdelay $0x1  }
0x1f1: {  	[tilespmem:v12+s30+$0x0] =	vst.idx.msk $0xffff, v16  }
0x1f2: {  	v16 =	vld [tilespmem:s1+$0x8740]  }
0x1f3: {  	v17 =	vld [tilespmem:s1+$0x8750]  }
0x1f4: {  	v18 =	vld [tilespmem:s1+$0x740]  }
0x1f5: {  	v19 =	vld [tilespmem:s1+$0x750]  }
0x1f6: {  	v20 =	vld [tilespmem:s1+$0x760]  }
0x1f7: {  	v21 =	vld [tilespmem:s1+$0x8760]  }
0x1f8: {  	v22 =	vld [tilespmem:s1+$0x770]  }
0x1f9: {  	v16 =	vmul.f32 v16, v18;
	v18 =	vld [tilespmem:s1+$0x8770]  }
0x1fa: {  	v17 =	vmul.f32 v17, v19;
	_ =	sdelay $0x1  }
0x1fb: {  	v16 =	vadd.f32 v17, v16;
	v17 =	vmul.f32 v21, v20;
	_ =	sdelay $0x1  }
0x1fc: {  	v16 =	vadd.f32 v17, v16;
	v17 =	vmul.f32 v18, v22;
	_ =	sdelay $0x1  }
0x1fd: {  	v16 =	vadd.f32 v17, v16;
	_ =	sdelay $0x1  }
0x1fe: {  	[tilespmem:v13+s30+$0x0] =	vst.idx.msk $0xffff, v16  }
0x1ff: {  	v16 =	vld [tilespmem:s1+$0x8780]  }
0x200: {  	v17 =	vld [tilespmem:s1+$0x8790]  }
0x201: {  	v18 =	vld [tilespmem:s1+$0x780]  }
0x202: {  	v19 =	vld [tilespmem:s1+$0x790]  }
0x203: {  	v20 =	vld [tilespmem:s1+$0x7A0]  }
0x204: {  	v21 =	vld [tilespmem:s1+$0x87A0]  }
0x205: {  	v22 =	vld [tilespmem:s1+$0x7B0]  }
0x206: {  	v16 =	vmul.f32 v16, v18;
	v18 =	vld [tilespmem:s1+$0x87B0]  }
0x207: {  	v17 =	vmul.f32 v17, v19;
	_ =	sdelay $0x1  }
0x208: {  	v16 =	vadd.f32 v17, v16;
	v17 =	vmul.f32 v21, v20;
	_ =	sdelay $0x1  }
0x209: {  	v16 =	vadd.f32 v17, v16;
	v17 =	vmul.f32 v18, v22;
	_ =	sdelay $0x1  }
0x20a: {  	v16 =	vadd.f32 v17, v16;
	_ =	sdelay $0x1  }
.Ltmp0:
0x20b: {  	[tilespmem:v14+s30+$0x0] =	vst.idx.msk $0xffff, v16;
	(pc) =	sbr.rel @p0 .LBB2_2-.Ltmp0, $4  }
0x20c: {  	v16 =	vld [tilespmem:s1+$0x87C0]  }
0x20d: {  	v18 =	vld [tilespmem:s1+$0x7C0]  }
0x20e: {  	v17 =	vld [tilespmem:s1+$0x87D0]  }
0x20f: {  	v19 =	vld [tilespmem:s1+$0x7D0]  }
0x210: {  	v20 =	vld [tilespmem:s1+$0x7E0]  }
0x211: {  	v21 =	vld [tilespmem:s1+$0x87E0]  }
0x212: {  	v22 =	vld [tilespmem:s1+$0x7F0]  }
0x213: {  	v23 =	vld [tilespmem:s1+$0x87F0]  }
0x214: {  	v16 =	vmul.f32 v16, v18;
	v17 =	vmul.f32 v17, v19;
	_ =	sdelay $0x1  }
0x215: {  	v16 =	vadd.f32 v17, v16;
	v17 =	vmul.f32 v21, v20;
	_ =	sdelay $0x1  }
0x216: {  	v16 =	vadd.f32 v17, v16;
	v17 =	vmul.f32 v23, v22;
	_ =	sdelay $0x1  }
0x217: {  	v16 =	vadd.f32 v17, v16;
	_ =	sdelay $0x1  }
0x218: {  	[tilespmem:v15+s30+$0x0] =	vst.idx.msk $0xffff, v16  }
0x219: {  	v16 =	vld [tilespmem:$0x10400]  }
0x21a: {  	v17 =	vld [tilespmem:$0x10410];
	_ =	sdelay $0x1  }
0x21b: {  	v54 =	vld [tilespmem:$0x10420];
	_ =	sdelay $0x1  }
0x21c: {  	v55 =	vld [tilespmem:$0x10430]  }
0x21d: {  	v16 =	vadd.f32 v17, v16  }
0x21e: {  	v17 =	vld [tilespmem:$0x10440]  }
0x21f: {  	v16 =	vadd.f32 v54, v16  }
0x220: {  	v56 =	vld [tilespmem:$0x10450]  }
0x221: {  	v16 =	vadd.f32 v55, v16  }
0x222: {  	v57 =	vld [tilespmem:$0x10460]  }
0x223: {  	v16 =	vadd.f32 v17, v16  }
0x224: {  	v17 =	vld [tilespmem:$0x10470]  }
0x225: {  	v16 =	vadd.f32 v56, v16  }
0x226: {  	v58 =	vld [tilespmem:$0x10480]  }
0x227: {  	v16 =	vadd.f32 v57, v16  }
0x228: {  	v59 =	vld [tilespmem:$0x10490]  }
0x229: {  	v16 =	vadd.f32 v17, v16  }
0x22a: {  	v17 =	vld [tilespmem:$0x104A0]  }
0x22b: {  	v16 =	vadd.f32 v58, v16  }
0x22c: {  	v60 =	vld [tilespmem:$0x104B0]  }
0x22d: {  	v16 =	vadd.f32 v59, v16  }
0x22e: {  	v61 =	vld [tilespmem:$0x104C0]  }
0x22f: {  	v16 =	vadd.f32 v17, v16  }
0x230: {  	v17 =	vld [tilespmem:$0x104D0]  }
0x231: {  	v16 =	vadd.f32 v60, v16  }
0x232: {  	v62 =	vld [tilespmem:$0x104E0]  }
0x233: {  	v16 =	vadd.f32 v61, v16  }
0x234: {  	v63 =	vld [tilespmem:$0x104F0]  }
0x235: {  	v16 =	vadd.f32 v17, v16;
	_ =	sdelay $0x1  }
0x236: {  	v16 =	vadd.f32 v62, v16;
	_ =	sdelay $0x1  }
0x237: {  	v16 =	vadd.f32 v63, v16;
	_ =	sdelay $0x1  }
0x238: {  	[tilespmem:s31+$0x0] =	vst v16  }
0x239: {  	[hbm4b:s13+s2] =	stream.linear.scatter [tilespmem:s25], [sflag:$0x3], $0x8000, $0x38;
	[tilespmem:$0x10700] =	vst v63  }
0x23a: {  	_ =	swait.ge [sflag:s17], $0x8000  }
0x23b: {  	[sflag:s17] =	ssyncset.done $0x0  }
0x23c: {  	[sflag:s17] =	ssyncadd.s32 $0xFFFF8000  }
0x23d: {  	[hbm4b:s14+s2] =	stream.linear.scatter [tilespmem:s26], [sflag:$0x3], $0x8000, $0x38;
	[tilespmem:$0x10700] =	vst v63  }
0x23e: {  	s0 =	sadd.s32 $0x1, s0;
	_ =	swait.ge [sflag:s17], $0x8000  }
0x23f: {  	p0 =	sne.s32 s0, s16;
	[sflag:s17] =	ssyncset.done $0x0  }
.Ltmp1:
0x240: {  	s31 =	simm.s32 $0x10500;
	[sflag:s17] =	ssyncadd.s32 $0xFFFF8000;
	(pc) =	sbr.rel @p0 .LBB2_1-.Ltmp1, $4  }
0x241: {  	[hbm4b:s15+s2] =	stream.linear.scatter [tilespmem:s31], [sflag:$0x3], $0x200, $0x38;
	[tilespmem:$0x10700] =	vst v63  }
0x242: {  	_ =	swait.ge [sflag:s17], $0x200  }
0x243: {  	[sflag:s17] =	ssyncset.done $0x0  }
0x244: {  	[sflag:s17] =	ssyncadd.s32 $0xFFFFFE00  }
0x245: {  	_ =	sfence.sel $0x180000  }
0x246: {  	[bflag:$0x0] =	sbarrier.arrive $0xFFFF  }
0x247: {  	_ =	strace $0x90000047  }
0x248: {  	s0 =	stileid.u32;
	[bflag:$0x2] =	sbarrier.arrive $0xFFFF  }
0x249: {  	p0 =	sne.s32 s0, $0x0;
	s0 =	rddreg [dreg:$0x5]  }
0x24a: {  	s0 =	sadd.s32 @!p0 $0x100000, s0  }
0x24b: {  	[sflag:s0] =	ssyncadd.tile.s32 @!p0 $0x1;
	_ =	shalt  }
.Lfunc_end2:
_tile_overlayer_lowered:
.L_overlay_start_2:
0x24c: {  	(tag) =	ssettag $0x2  }
0x24d: {  	s0 =	rddreg [dreg:$0x0];
	s2 =	stileid.u32  }
0x24e: {  	s1 =	rddreg [dreg:$0x1];
	p0 =	sne.s32 s2, $0x0  }
0x24f: {  	s3 =	rddreg [dreg:$0x2];
	[bflag:$0x3] =	sbarrier.arrive $0xFFFF;
	s2 =	simm.s32 @!p0 $0x1C03  }
0x250: {  	[timem:s3], [sflag:s2] =	dma.local @!p0 [hbm:s0], s1  }
0x251: {  	s0 =	simm.s32 @!p0 $0x3  }
0x252: {  	_ =	swait.ge @!p0 [sflag:s0], s1  }
0x253: {  	s1 =	ssub.s32 @!p0 $0x0, s1;
	[sflag:s0] =	ssyncset.done @!p0 $0x0  }
0x254: {  	[sflag:s0] =	ssyncadd.s32 @!p0 s1  }
0x255: {  	[bflag:$0x3] =	sbarrier.arrive $0xFFFF  }
0x256: {  	_ =	shalt  }

</sc_bundles>
